<compile_context>
chip_gen: v7x
topology: tpu7x:2x2x1
jax: 0.10.2.dev20260603
libtpu: 0.0.44.dev20260713+nightly
codegen_flags: <defaults>
</compile_context>

<pallas_src>
import functools

import jax
import jax.numpy as jnp
from jax import lax
from jax.experimental import pallas as pl
from jax.experimental.pallas import tpu as pltpu
from jax.experimental.pallas import tpu_sc as plsc

NC = 2
NS = 16
NW = NC * NS
L = 16

CHUNK = 128
KCOLS = 12288


def _pack_kernel(v, d):
    grid = (v + KCOLS - 1) // KCOLS
    vpad = grid * KCOLS

    def body(xt_ref, eye_ref, out_ref):
        blk = xt_ref[...]
        eye = eye_ref[...]
        hi = blk.astype(jnp.bfloat16).astype(jnp.float32)
        lo = blk - hi
        dims = (((0,), (0,)), ((), ()))
        t = (jax.lax.dot_general(hi, eye, dims,
                                 preferred_element_type=jnp.float32)
             + jax.lax.dot_general(lo, eye, dims,
                                   preferred_element_type=jnp.float32))
        out_ref[...] = jnp.concatenate([t, t], axis=1)

    return pl.pallas_call(
        body,
        grid=(grid,),
        in_specs=[pl.BlockSpec((d, KCOLS), lambda j: (0, j)),
                  pl.BlockSpec((d, d), lambda j: (0, 0))],
        out_specs=pl.BlockSpec((KCOLS, 2 * d), lambda j: (j, 0)),
        out_shape=jax.ShapeDtypeStruct((vpad, 2 * d), jnp.float32),
    )


def _make_gather(B, D):
    n_per_w = B // NW
    n_chunks = n_per_w // CHUNK
    mesh = plsc.VectorSubcoreMesh(core_axis_name="c", subcore_axis_name="s")

    @functools.partial(
        pl.kernel,
        mesh=mesh,
        out_type=jax.ShapeDtypeStruct((B, D), jnp.float32),
        compiler_params=pltpu.CompilerParams(needs_layout_passes=False),
        scratch_types=[
            pltpu.VMEM((n_per_w,), jnp.int32),
            pltpu.VMEM((2, CHUNK, 2 * D), jnp.float32),
            pltpu.VMEM((2, CHUNK, D), jnp.float32),
            pltpu.SemaphoreType.DMA,
            pltpu.SemaphoreType.DMA,
            pltpu.SemaphoreType.DMA,
            pltpu.SemaphoreType.DMA,
        ],
    )
    def k(xp_hbm, idx_hbm, out_hbm, idx_v, pairs_v, rows_v, *sems):
        g0, g1, s0, s1 = sems
        gsems = (g0, g1)
        ssems = (s0, s1)
        wid = lax.axis_index("s") * NC + lax.axis_index("c")
        row0 = wid * n_per_w
        pltpu.sync_copy(idx_hbm.at[pl.ds(row0, n_per_w)], idx_v)

        def fire(c, b):
            pltpu.async_copy(
                xp_hbm.at[idx_v.at[pl.ds(c * CHUNK, CHUNK)]],
                pairs_v.at[b], gsems[b])

        def drain_gather(b):
            pltpu.make_async_copy(
                xp_hbm.at[pl.ds(0, CHUNK)], pairs_v.at[b], gsems[b]).wait()

        def select_store(c, b):
            def group(g, carry):
                for j in range(L):
                    r = g * L + j
                    for jb in range(D // L):
                        rows_v[b, r, pl.ds(jb * L, L)] = (
                            pairs_v[b, r, pl.ds(jb * L, L)])
                return carry

            lax.fori_loop(0, CHUNK // L, group, 0)
            pltpu.async_copy(
                rows_v.at[b],
                out_hbm.at[pl.ds(row0 + c * CHUNK, CHUNK)], ssems[b])

        def drain_store(b):
            pltpu.make_async_copy(
                rows_v.at[b], out_hbm.at[pl.ds(0, CHUNK)], ssems[b]).wait()

        fire(0, 0)

        def body(i, carry):
            c = i * 2
            for b in range(2):

                @pl.when(c + b + 1 < n_chunks)
                def _():
                    @pl.when(c + b >= 1)
                    def _():
                        drain_store(1 - b)

                    fire(c + b + 1, 1 - b)

                drain_gather(b)
                select_store(c + b, b)
            return carry

        lax.fori_loop(0, n_chunks // 2, body, 0)
        drain_store(0)
        drain_store(1)

    return k


def kernel(x, dim, idx):
    B = idx.shape[0]
    V, D = x.shape
    idx32 = (idx + dim).astype(jnp.int32)
    xp = _pack_kernel(V, D)(x.T, jnp.eye(D, dtype=jnp.float32))
    return _make_gather(B, D)(xp, idx32)

# --- scband reference (transcript-rebuilt; emitter-appended) ---
"""Pipeline reference for scband-gather-v2-net-54202487275637 (READ-ONLY COPY).

The authoritative reference and input builder live on the scoring server;
editing this copy changes nothing except your own understanding.
"""

import jax, jax.numpy as jnp
import numpy as np


def setup_inputs(seed: int = 0) -> dict:
    key = jax.random.key(seed)
    k1, k2 = jax.random.split(key)
    x = jax.random.normal(k1, (1000000, 64), dtype=jnp.float32)
    dim = 0
    idx = jax.random.randint(k2, (425984,), 0, 1000000, dtype=jnp.int64)
    return {"x": x, "dim": dim, "idx": idx}


def reference(x, dim, idx):
    # torch.index_select(x, dim, idx) == jnp.take(x, idx, axis=dim)
    out = jnp.take(x, idx + dim, axis=0)
    return out

if __name__ == "__main__":
    import jax
    _d = setup_inputs()
    print(jax.jit(kernel)(*tuple(_d.values())))

</pallas_src>

<mosaic_0001>
#map = affine_map<(d0, d1) -> (0, 0)>
#map1 = affine_map<(d0, d1) -> (0)>
module attributes {stable_mosaic.version = 14 : i64} {
  func.func @k(%arg0: i32, %arg1: i32, %arg2: memref<1007616x128xf32, #tpu.memory_space<hbm>>, %arg3: memref<425984xi32, #tpu.memory_space<hbm>>, %arg4: memref<425984x64xf32, #tpu.memory_space<hbm>>, %arg5: memref<13312xi32, #tpu.memory_space<vmem>>, %arg6: memref<2x128x128xf32, #tpu.memory_space<vmem>>, %arg7: memref<2x128x64xf32, #tpu.memory_space<vmem>>, %arg8: memref<!tpu.dma_semaphore, #tpu.memory_space<semaphore_mem>>, %arg9: memref<!tpu.dma_semaphore, #tpu.memory_space<semaphore_mem>>, %arg10: memref<!tpu.dma_semaphore, #tpu.memory_space<semaphore_mem>>, %arg11: memref<!tpu.dma_semaphore, #tpu.memory_space<semaphore_mem>>) attributes {dimension_semantics = [#tpu.dimension_semantics<core_parallel>, #tpu.dimension_semantics<subcore_parallel>], iteration_bounds = array<i64: 2, 16>, scalar_prefetch = 0 : i64, scratch_operands = 7 : i64, tpu.core_type = #tpu.core_type<sc_vector_subcore>, window_params = [{transform_indices = #map}, {transform_indices = #map1}, {transform_indices = #map}]} {
    %mul3A = arith.constant 2 : i32
    %mul3A_0 = arith.muli %arg1, %mul3A : i32
    %add3A = arith.addi %mul3A_0, %arg0 : i32
    %mul3A_1 = arith.constant 13312 : i32
    %mul3A_2 = arith.muli %add3A, %mul3A_1 : i32
    "tpu.region"() ({
      %run_scoped3A = tpu.sem_alloc : memref<!tpu.dma_semaphore, #tpu.memory_space<semaphore_mem>>
      %dma_start3A_46 = tpu.memref_slice %arg3[%mul3A_2] : memref<425984xi32, #tpu.memory_space<hbm>> -> memref<13312xi32, #tpu.memory_space<hbm>>
      %dma_start3A_47 = tpu.memref_slice %arg3[%mul3A_2] : memref<425984xi32, #tpu.memory_space<hbm>> -> memref<13312xi32, #tpu.memory_space<hbm>>
      tpu.enqueue_dma source(%dma_start3A_47 : memref<13312xi32, #tpu.memory_space<hbm>>) target(%arg5 : memref<13312xi32, #tpu.memory_space<vmem>>) target_semaphore(%run_scoped3A : memref<!tpu.dma_semaphore, #tpu.memory_space<semaphore_mem>>)
      %dma_wait3A_48 = tpu.memref_slice %arg3[%mul3A_2] : memref<425984xi32, #tpu.memory_space<hbm>> -> memref<13312xi32, #tpu.memory_space<hbm>>
      %dma_wait3A_49 = tpu.memref_slice %arg3[%mul3A_2] : memref<425984xi32, #tpu.memory_space<hbm>> -> memref<13312xi32, #tpu.memory_space<hbm>>
      tpu.wait_dma2 semaphore(%run_scoped3A : memref<!tpu.dma_semaphore, #tpu.memory_space<semaphore_mem>>) src(%dma_wait3A_49 : memref<13312xi32, #tpu.memory_space<hbm>>) dst(%arg5 : memref<13312xi32, #tpu.memory_space<vmem>>)
      tpu.yield
    }) : () -> ()
    %dma_start3A = arith.constant 0 : i32
    %dma_start3A_3 = arith.constant 0 : i32
    %dma_start3A_4 = arith.constant 0 : i32
    %dma_start3A_5 = tpu.memref_slice %arg6[%dma_start3A, %dma_start3A_3, %dma_start3A_4] : memref<2x128x128xf32, #tpu.memory_space<vmem>> -> memref<1x128x128xf32, #tpu.memory_space<vmem>>
    %dma_start3A_6 = tpu.memref_squeeze %dma_start3A_5 : memref<1x128x128xf32, #tpu.memory_space<vmem>> -> memref<128x128xf32, #tpu.memory_space<vmem>>
    %dma_start3A_7 = arith.constant 0 : i32
    %dma_start3A_8 = tpu.memref_slice %arg5[%dma_start3A_7] : memref<13312xi32, #tpu.memory_space<vmem>> -> memref<128xi32, #tpu.memory_space<vmem>>
    %dma_start3A_9 = arith.constant 0 : i32
    %dma_start3A_10 = arith.constant 0 : i32
    %dma_start3A_11 = tpu.memref_slice %arg2[%dma_start3A_9, %dma_start3A_10] : memref<1007616x128xf32, #tpu.memory_space<hbm>> -> memref<1007616x128xf32, #tpu.memory_space<hbm>>
    tpu.enqueue_indirect_dma source(%dma_start3A_11 : memref<1007616x128xf32, #tpu.memory_space<hbm>>) target(%dma_start3A_6 : memref<128x128xf32, #tpu.memory_space<vmem>>) offsets(%dma_start3A_8 : memref<128xi32, #tpu.memory_space<vmem>>) semaphore(%arg8 : memref<!tpu.dma_semaphore, #tpu.memory_space<semaphore_mem>>)
    %scan3A = arith.constant 0 : i32
    %scan3A_12 = arith.constant 0 : i32
    %scan3A_13 = arith.constant 52 : i32
    %scan3A_14 = arith.addi %scan3A_12, %scan3A_13 : i32
    %scan3A_15 = arith.constant 1 : i32
    scf.for %scan3A_46 = %scan3A_12 to %scan3A_14 step %scan3A_15  : i32 {
      %mul3A_47 = arith.constant 2 : i32
      %mul3A_48 = arith.muli %scan3A_46, %mul3A_47 : i32
      %add3A_49 = arith.constant 0 : i32
      %add3A_50 = arith.addi %mul3A_48, %add3A_49 : i32
      %add3A_51 = arith.constant 1 : i32
      %add3A_52 = arith.addi %add3A_50, %add3A_51 : i32
      %lt3A = arith.constant 104 : i32
      %lt3A_53 = arith.cmpi slt, %add3A_52, %lt3A : i32
      %convert_element_type3A = arith.extui %lt3A_53 : i1 to i32
      %cond3A = arith.constant 0 : i32
      %cond3A_54 = arith.cmpi ne, %convert_element_type3A, %cond3A : i32
      scf.if %cond3A_54 {
        %add3A_142 = arith.constant 0 : i32
        %add3A_143 = arith.addi %mul3A_48, %add3A_142 : i32
        %ge3A = arith.constant 1 : i32
        %ge3A_144 = arith.cmpi sge, %add3A_143, %ge3A : i32
        %convert_element_type3A_145 = arith.extui %ge3A_144 : i1 to i32
        %cond3A_146 = arith.constant 0 : i32
        %cond3A_147 = arith.cmpi ne, %convert_element_type3A_145, %cond3A_146 : i32
        scf.if %cond3A_147 {
          %dma_wait3A_163 = arith.constant 1 : i32
          %dma_wait3A_164 = arith.constant 0 : i32
          %dma_wait3A_165 = arith.constant 0 : i32
          %dma_wait3A_166 = tpu.memref_slice %arg7[%dma_wait3A_163, %dma_wait3A_164, %dma_wait3A_165] : memref<2x128x64xf32, #tpu.memory_space<vmem>> -> memref<1x128x64xf32, #tpu.memory_space<vmem>>
          %dma_wait3A_167 = tpu.memref_squeeze %dma_wait3A_166 : memref<1x128x64xf32, #tpu.memory_space<vmem>> -> memref<128x64xf32, #tpu.memory_space<vmem>>
          %dma_wait3A_168 = arith.constant 0 : i32
          %dma_wait3A_169 = arith.constant 0 : i32
          %dma_wait3A_170 = tpu.memref_slice %arg4[%dma_wait3A_168, %dma_wait3A_169] : memref<425984x64xf32, #tpu.memory_space<hbm>> -> memref<128x64xf32, #tpu.memory_space<hbm>>
          %dma_wait3A_171 = arith.constant 0 : i32
          %dma_wait3A_172 = arith.constant 0 : i32
          %dma_wait3A_173 = tpu.memref_slice %arg4[%dma_wait3A_171, %dma_wait3A_172] : memref<425984x64xf32, #tpu.memory_space<hbm>> -> memref<128x64xf32, #tpu.memory_space<hbm>>
          %dma_wait3A_174 = arith.constant 0 : i32
          %dma_wait3A_175 = arith.constant 0 : i32
          %dma_wait3A_176 = tpu.memref_slice %arg7[%dma_wait3A_163, %dma_wait3A_174, %dma_wait3A_175] : memref<2x128x64xf32, #tpu.memory_space<vmem>> -> memref<1x128x64xf32, #tpu.memory_space<vmem>>
          %dma_wait3A_177 = tpu.memref_squeeze %dma_wait3A_176 : memref<1x128x64xf32, #tpu.memory_space<vmem>> -> memref<128x64xf32, #tpu.memory_space<vmem>>
          tpu.wait_dma2 semaphore(%arg11 : memref<!tpu.dma_semaphore, #tpu.memory_space<semaphore_mem>>) src(%dma_wait3A_177 : memref<128x64xf32, #tpu.memory_space<vmem>>) dst(%dma_wait3A_173 : memref<128x64xf32, #tpu.memory_space<hbm>>)
        } else {
        }
        %add3A_148 = arith.constant 0 : i32
        %add3A_149 = arith.addi %mul3A_48, %add3A_148 : i32
        %add3A_150 = arith.constant 1 : i32
        %add3A_151 = arith.addi %add3A_149, %add3A_150 : i32
        %mul3A_152 = arith.constant 128 : i32
        %mul3A_153 = arith.muli %add3A_151, %mul3A_152 : i32
        %dma_start3A_154 = arith.constant 1 : i32
        %dma_start3A_155 = arith.constant 0 : i32
        %dma_start3A_156 = arith.constant 0 : i32
        %dma_start3A_157 = tpu.memref_slice %arg6[%dma_start3A_154, %dma_start3A_155, %dma_start3A_156] : memref<2x128x128xf32, #tpu.memory_space<vmem>> -> memref<1x128x128xf32, #tpu.memory_space<vmem>>
        %dma_start3A_158 = tpu.memref_squeeze %dma_start3A_157 : memref<1x128x128xf32, #tpu.memory_space<vmem>> -> memref<128x128xf32, #tpu.memory_space<vmem>>
        %dma_start3A_159 = tpu.memref_slice %arg5[%mul3A_153] : memref<13312xi32, #tpu.memory_space<vmem>> -> memref<128xi32, #tpu.memory_space<vmem>>
        %dma_start3A_160 = arith.constant 0 : i32
        %dma_start3A_161 = arith.constant 0 : i32
        %dma_start3A_162 = tpu.memref_slice %arg2[%dma_start3A_160, %dma_start3A_161] : memref<1007616x128xf32, #tpu.memory_space<hbm>> -> memref<1007616x128xf32, #tpu.memory_space<hbm>>
        tpu.enqueue_indirect_dma source(%dma_start3A_162 : memref<1007616x128xf32, #tpu.memory_space<hbm>>) target(%dma_start3A_158 : memref<128x128xf32, #tpu.memory_space<vmem>>) offsets(%dma_start3A_159 : memref<128xi32, #tpu.memory_space<vmem>>) semaphore(%arg9 : memref<!tpu.dma_semaphore, #tpu.memory_space<semaphore_mem>>)
      } else {
      }
      %dma_wait3A_55 = arith.constant 0 : i32
      %dma_wait3A_56 = arith.constant 0 : i32
      %dma_wait3A_57 = arith.constant 0 : i32
      %dma_wait3A_58 = tpu.memref_slice %arg6[%dma_wait3A_55, %dma_wait3A_56, %dma_wait3A_57] : memref<2x128x128xf32, #tpu.memory_space<vmem>> -> memref<1x128x128xf32, #tpu.memory_space<vmem>>
      %dma_wait3A_59 = tpu.memref_squeeze %dma_wait3A_58 : memref<1x128x128xf32, #tpu.memory_space<vmem>> -> memref<128x128xf32, #tpu.memory_space<vmem>>
      %dma_wait3A_60 = arith.constant 0 : i32
      %dma_wait3A_61 = arith.constant 0 : i32
      %dma_wait3A_62 = tpu.memref_slice %arg2[%dma_wait3A_60, %dma_wait3A_61] : memref<1007616x128xf32, #tpu.memory_space<hbm>> -> memref<128x128xf32, #tpu.memory_space<hbm>>
      %dma_wait3A_63 = arith.constant 0 : i32
      %dma_wait3A_64 = arith.constant 0 : i32
      %dma_wait3A_65 = tpu.memref_slice %arg6[%dma_wait3A_55, %dma_wait3A_63, %dma_wait3A_64] : memref<2x128x128xf32, #tpu.memory_space<vmem>> -> memref<1x128x128xf32, #tpu.memory_space<vmem>>
      %dma_wait3A_66 = tpu.memref_squeeze %dma_wait3A_65 : memref<1x128x128xf32, #tpu.memory_space<vmem>> -> memref<128x128xf32, #tpu.memory_space<vmem>>
      %dma_wait3A_67 = arith.constant 0 : i32
      %dma_wait3A_68 = arith.constant 0 : i32
      %dma_wait3A_69 = tpu.memref_slice %arg2[%dma_wait3A_67, %dma_wait3A_68] : memref<1007616x128xf32, #tpu.memory_space<hbm>> -> memref<128x128xf32, #tpu.memory_space<hbm>>
      tpu.wait_dma2 semaphore(%arg8 : memref<!tpu.dma_semaphore, #tpu.memory_space<semaphore_mem>>) src(%dma_wait3A_69 : memref<128x128xf32, #tpu.memory_space<hbm>>) dst(%dma_wait3A_66 : memref<128x128xf32, #tpu.memory_space<vmem>>)
      %add3A_70 = arith.constant 0 : i32
      %add3A_71 = arith.addi %mul3A_48, %add3A_70 : i32
      %scan3A_72 = arith.constant 0 : i32
      %scan3A_73 = arith.constant 0 : i32
      %scan3A_74 = arith.constant 8 : i32
      %scan3A_75 = arith.addi %scan3A_73, %scan3A_74 : i32
      %scan3A_76 = arith.constant 1 : i32
      scf.for %scan3A_142 = %scan3A_73 to %scan3A_75 step %scan3A_76  : i32 {
        %mul3A_143 = arith.constant 16 : i32
        %mul3A_144 = arith.muli %scan3A_142, %mul3A_143 : i32
        %add3A_145 = arith.constant 0 : i32
        %add3A_146 = arith.addi %mul3A_144, %add3A_145 : i32
        %get3A = arith.constant 0 : i32
        %get3A_147 = arith.index_cast %get3A : i32 to index
        %get3A_148 = arith.index_cast %add3A_146 : i32 to index
        %get3A_149 = arith.constant 0 : index
        %get3A_150 = tpu.vector_load %arg6[%get3A_147, %get3A_148, %get3A_149] {strides = array<i32>} : memref<2x128x128xf32, #tpu.memory_space<vmem>>, vector<16xf32>,
        %swap3A = arith.constant 0 : i32
        %swap3A_151 = arith.index_cast %swap3A : i32 to index
        %swap3A_152 = arith.index_cast %add3A_146 : i32 to index
        %swap3A_153 = arith.constant 0 : index
        %swap3A_154 = tpu.vector_load %arg7[%swap3A_151, %swap3A_152, %swap3A_153] {strides = array<i32>} : memref<2x128x64xf32, #tpu.memory_space<vmem>>, vector<16xf32>,
        tpu.vector_store %arg7[%swap3A_151, %swap3A_152, %swap3A_153], %get3A_150 {strides = array<i32>} : memref<2x128x64xf32, #tpu.memory_space<vmem>>, vector<16xf32>,
        %get3A_155 = arith.constant 0 : i32
        %get3A_156 = arith.index_cast %get3A_155 : i32 to index
        %get3A_157 = arith.index_cast %add3A_146 : i32 to index
        %get3A_158 = arith.constant 16 : index
        %get3A_159 = tpu.vector_load %arg6[%get3A_156, %get3A_157, %get3A_158] {strides = array<i32>} : memref<2x128x128xf32, #tpu.memory_space<vmem>>, vector<16xf32>,
        %swap3A_160 = arith.constant 0 : i32
        %swap3A_161 = arith.index_cast %swap3A_160 : i32 to index
        %swap3A_162 = arith.index_cast %add3A_146 : i32 to index
        %swap3A_163 = arith.constant 16 : index
        %swap3A_164 = tpu.vector_load %arg7[%swap3A_161, %swap3A_162, %swap3A_163] {strides = array<i32>} : memref<2x128x64xf32, #tpu.memory_space<vmem>>, vector<16xf32>,
        tpu.vector_store %arg7[%swap3A_161, %swap3A_162, %swap3A_163], %get3A_159 {strides = array<i32>} : memref<2x128x64xf32, #tpu.memory_space<vmem>>, vector<16xf32>,
        %get3A_165 = arith.constant 0 : i32
        %get3A_166 = arith.index_cast %get3A_165 : i32 to index
        %get3A_167 = arith.index_cast %add3A_146 : i32 to index
        %get3A_168 = arith.constant 32 : index
        %get3A_169 = tpu.vector_load %arg6[%get3A_166, %get3A_167, %get3A_168] {strides = array<i32>} : memref<2x128x128xf32, #tpu.memory_space<vmem>>, vector<16xf32>,
        %swap3A_170 = arith.constant 0 : i32
        %swap3A_171 = arith.index_cast %swap3A_170 : i32 to index
        %swap3A_172 = arith.index_cast %add3A_146 : i32 to index
        %swap3A_173 = arith.constant 32 : index
        %swap3A_174 = tpu.vector_load %arg7[%swap3A_171, %swap3A_172, %swap3A_173] {strides = array<i32>} : memref<2x128x64xf32, #tpu.memory_space<vmem>>, vector<16xf32>,
        tpu.vector_store %arg7[%swap3A_171, %swap3A_172, %swap3A_173], %get3A_169 {strides = array<i32>} : memref<2x128x64xf32, #tpu.memory_space<vmem>>, vector<16xf32>,
        %get3A_175 = arith.constant 0 : i32
        %get3A_176 = arith.index_cast %get3A_175 : i32 to index
        %get3A_177 = arith.index_cast %add3A_146 : i32 to index
        %get3A_178 = arith.constant 48 : index
        %get3A_179 = tpu.vector_load %arg6[%get3A_176, %get3A_177, %get3A_178] {strides = array<i32>} : memref<2x128x128xf32, #tpu.memory_space<vmem>>, vector<16xf32>,
        %swap3A_180 = arith.constant 0 : i32
        %swap3A_181 = arith.index_cast %swap3A_180 : i32 to index
        %swap3A_182 = arith.index_cast %add3A_146 : i32 to index
        %swap3A_183 = arith.constant 48 : index
        %swap3A_184 = tpu.vector_load %arg7[%swap3A_181, %swap3A_182, %swap3A_183] {strides = array<i32>} : memref<2x128x64xf32, #tpu.memory_space<vmem>>, vector<16xf32>,
        tpu.vector_store %arg7[%swap3A_181, %swap3A_182, %swap3A_183], %get3A_179 {strides = array<i32>} : memref<2x128x64xf32, #tpu.memory_space<vmem>>, vector<16xf32>,
        %mul3A_185 = arith.constant 16 : i32
        %mul3A_186 = arith.muli %scan3A_142, %mul3A_185 : i32
        %add3A_187 = arith.constant 1 : i32
        %add3A_188 = arith.addi %mul3A_186, %add3A_187 : i32
        %get3A_189 = arith.constant 0 : i32
        %get3A_190 = arith.index_cast %get3A_189 : i32 to index
        %get3A_191 = arith.index_cast %add3A_188 : i32 to index
        %get3A_192 = arith.constant 0 : index
        %get3A_193 = tpu.vector_load %arg6[%get3A_190, %get3A_191, %get3A_192] {strides = array<i32>} : memref<2x128x128xf32, #tpu.memory_space<vmem>>, vector<16xf32>,
        %swap3A_194 = arith.constant 0 : i32
        %swap3A_195 = arith.index_cast %swap3A_194 : i32 to index
        %swap3A_196 = arith.index_cast %add3A_188 : i32 to index
        %swap3A_197 = arith.constant 0 : index
        %swap3A_198 = tpu.vector_load %arg7[%swap3A_195, %swap3A_196, %swap3A_197] {strides = array<i32>} : memref<2x128x64xf32, #tpu.memory_space<vmem>>, vector<16xf32>,
        tpu.vector_store %arg7[%swap3A_195, %swap3A_196, %swap3A_197], %get3A_193 {strides = array<i32>} : memref<2x128x64xf32, #tpu.memory_space<vmem>>, vector<16xf32>,
        %get3A_199 = arith.constant 0 : i32
        %get3A_200 = arith.index_cast %get3A_199 : i32 to index
        %get3A_201 = arith.index_cast %add3A_188 : i32 to index
        %get3A_202 = arith.constant 16 : index
        %get3A_203 = tpu.vector_load %arg6[%get3A_200, %get3A_201, %get3A_202] {strides = array<i32>} : memref<2x128x128xf32, #tpu.memory_space<vmem>>, vector<16xf32>,
        %swap3A_204 = arith.constant 0 : i32
        %swap3A_205 = arith.index_cast %swap3A_204 : i32 to index
        %swap3A_206 = arith.index_cast %add3A_188 : i32 to index
        %swap3A_207 = arith.constant 16 : index
        %swap3A_208 = tpu.vector_load %arg7[%swap3A_205, %swap3A_206, %swap3A_207] {strides = array<i32>} : memref<2x128x64xf32, #tpu.memory_space<vmem>>, vector<16xf32>,
        tpu.vector_store %arg7[%swap3A_205, %swap3A_206, %swap3A_207], %get3A_203 {strides = array<i32>} : memref<2x128x64xf32, #tpu.memory_space<vmem>>, vector<16xf32>,
        %get3A_209 = arith.constant 0 : i32
        %get3A_210 = arith.index_cast %get3A_209 : i32 to index
        %get3A_211 = arith.index_cast %add3A_188 : i32 to index
        %get3A_212 = arith.constant 32 : index
        %get3A_213 = tpu.vector_load %arg6[%get3A_210, %get3A_211, %get3A_212] {strides = array<i32>} : memref<2x128x128xf32, #tpu.memory_space<vmem>>, vector<16xf32>,
        %swap3A_214 = arith.constant 0 : i32
        %swap3A_215 = arith.index_cast %swap3A_214 : i32 to index
        %swap3A_216 = arith.index_cast %add3A_188 : i32 to index
        %swap3A_217 = arith.constant 32 : index
        %swap3A_218 = tpu.vector_load %arg7[%swap3A_215, %swap3A_216, %swap3A_217] {strides = array<i32>} : memref<2x128x64xf32, #tpu.memory_space<vmem>>, vector<16xf32>,
        tpu.vector_store %arg7[%swap3A_215, %swap3A_216, %swap3A_217], %get3A_213 {strides = array<i32>} : memref<2x128x64xf32, #tpu.memory_space<vmem>>, vector<16xf32>,
        %get3A_219 = arith.constant 0 : i32
        %get3A_220 = arith.index_cast %get3A_219 : i32 to index
        %get3A_221 = arith.index_cast %add3A_188 : i32 to index
        %get3A_222 = arith.constant 48 : index
        %get3A_223 = tpu.vector_load %arg6[%get3A_220, %get3A_221, %get3A_222] {strides = array<i32>} : memref<2x128x128xf32, #tpu.memory_space<vmem>>, vector<16xf32>,
        %swap3A_224 = arith.constant 0 : i32
        %swap3A_225 = arith.index_cast %swap3A_224 : i32 to index
        %swap3A_226 = arith.index_cast %add3A_188 : i32 to index
        %swap3A_227 = arith.constant 48 : index
        %swap3A_228 = tpu.vector_load %arg7[%swap3A_225, %swap3A_226, %swap3A_227] {strides = array<i32>} : memref<2x128x64xf32, #tpu.memory_space<vmem>>, vector<16xf32>,
        tpu.vector_store %arg7[%swap3A_225, %swap3A_226, %swap3A_227], %get3A_223 {strides = array<i32>} : memref<2x128x64xf32, #tpu.memory_space<vmem>>, vector<16xf32>,
        %mul3A_229 = arith.constant 16 : i32
        %mul3A_230 = arith.muli %scan3A_142, %mul3A_229 : i32
        %add3A_231 = arith.constant 2 : i32
        %add3A_232 = arith.addi %mul3A_230, %add3A_231 : i32
        %get3A_233 = arith.constant 0 : i32
        %get3A_234 = arith.index_cast %get3A_233 : i32 to index
        %get3A_235 = arith.index_cast %add3A_232 : i32 to index
        %get3A_236 = arith.constant 0 : index
        %get3A_237 = tpu.vector_load %arg6[%get3A_234, %get3A_235, %get3A_236] {strides = array<i32>} : memref<2x128x128xf32, #tpu.memory_space<vmem>>, vector<16xf32>,
        %swap3A_238 = arith.constant 0 : i32
        %swap3A_239 = arith.index_cast %swap3A_238 : i32 to index
        %swap3A_240 = arith.index_cast %add3A_232 : i32 to index
        %swap3A_241 = arith.constant 0 : index
        %swap3A_242 = tpu.vector_load %arg7[%swap3A_239, %swap3A_240, %swap3A_241] {strides = array<i32>} : memref<2x128x64xf32, #tpu.memory_space<vmem>>, vector<16xf32>,
        tpu.vector_store %arg7[%swap3A_239, %swap3A_240, %swap3A_241], %get3A_237 {strides = array<i32>} : memref<2x128x64xf32, #tpu.memory_space<vmem>>, vector<16xf32>,
        %get3A_243 = arith.constant 0 : i32
        %get3A_244 = arith.index_cast %get3A_243 : i32 to index
        %get3A_245 = arith.index_cast %add3A_232 : i32 to index
        %get3A_246 = arith.constant 16 : index
        %get3A_247 = tpu.vector_load %arg6[%get3A_244, %get3A_245, %get3A_246] {strides = array<i32>} : memref<2x128x128xf32, #tpu.memory_space<vmem>>, vector<16xf32>,
        %swap3A_248 = arith.constant 0 : i32
        %swap3A_249 = arith.index_cast %swap3A_248 : i32 to index
        %swap3A_250 = arith.index_cast %add3A_232 : i32 to index
        %swap3A_251 = arith.constant 16 : index
        %swap3A_252 = tpu.vector_load %arg7[%swap3A_249, %swap3A_250, %swap3A_251] {strides = array<i32>} : memref<2x128x64xf32, #tpu.memory_space<vmem>>, vector<16xf32>,
        tpu.vector_store %arg7[%swap3A_249, %swap3A_250, %swap3A_251], %get3A_247 {strides = array<i32>} : memref<2x128x64xf32, #tpu.memory_space<vmem>>, vector<16xf32>,
        %get3A_253 = arith.constant 0 : i32
        %get3A_254 = arith.index_cast %get3A_253 : i32 to index
        %get3A_255 = arith.index_cast %add3A_232 : i32 to index
        %get3A_256 = arith.constant 32 : index
        %get3A_257 = tpu.vector_load %arg6[%get3A_254, %get3A_255, %get3A_256] {strides = array<i32>} : memref<2x128x128xf32, #tpu.memory_space<vmem>>, vector<16xf32>,
        %swap3A_258 = arith.constant 0 : i32
        %swap3A_259 = arith.index_cast %swap3A_258 : i32 to index
        %swap3A_260 = arith.index_cast %add3A_232 : i32 to index
        %swap3A_261 = arith.constant 32 : index
        %swap3A_262 = tpu.vector_load %arg7[%swap3A_259, %swap3A_260, %swap3A_261] {strides = array<i32>} : memref<2x128x64xf32, #tpu.memory_space<vmem>>, vector<16xf32>,
        tpu.vector_store %arg7[%swap3A_259, %swap3A_260, %swap3A_261], %get3A_257 {strides = array<i32>} : memref<2x128x64xf32, #tpu.memory_space<vmem>>, vector<16xf32>,
        %get3A_263 = arith.constant 0 : i32
        %get3A_264 = arith.index_cast %get3A_263 : i32 to index
        %get3A_265 = arith.index_cast %add3A_232 : i32 to index
        %get3A_266 = arith.constant 48 : index
        %get3A_267 = tpu.vector_load %arg6[%get3A_264, %get3A_265, %get3A_266] {strides = array<i32>} : memref<2x128x128xf32, #tpu.memory_space<vmem>>, vector<16xf32>,
        %swap3A_268 = arith.constant 0 : i32
        %swap3A_269 = arith.index_cast %swap3A_268 : i32 to index
        %swap3A_270 = arith.index_cast %add3A_232 : i32 to index
        %swap3A_271 = arith.constant 48 : index
        %swap3A_272 = tpu.vector_load %arg7[%swap3A_269, %swap3A_270, %swap3A_271] {strides = array<i32>} : memref<2x128x64xf32, #tpu.memory_space<vmem>>, vector<16xf32>,
        tpu.vector_store %arg7[%swap3A_269, %swap3A_270, %swap3A_271], %get3A_267 {strides = array<i32>} : memref<2x128x64xf32, #tpu.memory_space<vmem>>, vector<16xf32>,
        %mul3A_273 = arith.constant 16 : i32
        %mul3A_274 = arith.muli %scan3A_142, %mul3A_273 : i32
        %add3A_275 = arith.constant 3 : i32
        %add3A_276 = arith.addi %mul3A_274, %add3A_275 : i32
        %get3A_277 = arith.constant 0 : i32
        %get3A_278 = arith.index_cast %get3A_277 : i32 to index
        %get3A_279 = arith.index_cast %add3A_276 : i32 to index
        %get3A_280 = arith.constant 0 : index
        %get3A_281 = tpu.vector_load %arg6[%get3A_278, %get3A_279, %get3A_280] {strides = array<i32>} : memref<2x128x128xf32, #tpu.memory_space<vmem>>, vector<16xf32>,
        %swap3A_282 = arith.constant 0 : i32
        %swap3A_283 = arith.index_cast %swap3A_282 : i32 to index
        %swap3A_284 = arith.index_cast %add3A_276 : i32 to index
        %swap3A_285 = arith.constant 0 : index
        %swap3A_286 = tpu.vector_load %arg7[%swap3A_283, %swap3A_284, %swap3A_285] {strides = array<i32>} : memref<2x128x64xf32, #tpu.memory_space<vmem>>, vector<16xf32>,
        tpu.vector_store %arg7[%swap3A_283, %swap3A_284, %swap3A_285], %get3A_281 {strides = array<i32>} : memref<2x128x64xf32, #tpu.memory_space<vmem>>, vector<16xf32>,
        %get3A_287 = arith.constant 0 : i32
        %get3A_288 = arith.index_cast %get3A_287 : i32 to index
        %get3A_289 = arith.index_cast %add3A_276 : i32 to index
        %get3A_290 = arith.constant 16 : index
        %get3A_291 = tpu.vector_load %arg6[%get3A_288, %get3A_289, %get3A_290] {strides = array<i32>} : memref<2x128x128xf32, #tpu.memory_space<vmem>>, vector<16xf32>,
        %swap3A_292 = arith.constant 0 : i32
        %swap3A_293 = arith.index_cast %swap3A_292 : i32 to index
        %swap3A_294 = arith.index_cast %add3A_276 : i32 to index
        %swap3A_295 = arith.constant 16 : index
        %swap3A_296 = tpu.vector_load %arg7[%swap3A_293, %swap3A_294, %swap3A_295] {strides = array<i32>} : memref<2x128x64xf32, #tpu.memory_space<vmem>>, vector<16xf32>,
        tpu.vector_store %arg7[%swap3A_293, %swap3A_294, %swap3A_295], %get3A_291 {strides = array<i32>} : memref<2x128x64xf32, #tpu.memory_space<vmem>>, vector<16xf32>,
        %get3A_297 = arith.constant 0 : i32
        %get3A_298 = arith.index_cast %get3A_297 : i32 to index
        %get3A_299 = arith.index_cast %add3A_276 : i32 to index
        %get3A_300 = arith.constant 32 : index
        %get3A_301 = tpu.vector_load %arg6[%get3A_298, %get3A_299, %get3A_300] {strides = array<i32>} : memref<2x128x128xf32, #tpu.memory_space<vmem>>, vector<16xf32>,
        %swap3A_302 = arith.constant 0 : i32
        %swap3A_303 = arith.index_cast %swap3A_302 : i32 to index
        %swap3A_304 = arith.index_cast %add3A_276 : i32 to index
        %swap3A_305 = arith.constant 32 : index
        %swap3A_306 = tpu.vector_load %arg7[%swap3A_303, %swap3A_304, %swap3A_305] {strides = array<i32>} : memref<2x128x64xf32, #tpu.memory_space<vmem>>, vector<16xf32>,
        tpu.vector_store %arg7[%swap3A_303, %swap3A_304, %swap3A_305], %get3A_301 {strides = array<i32>} : memref<2x128x64xf32, #tpu.memory_space<vmem>>, vector<16xf32>,
        %get3A_307 = arith.constant 0 : i32
        %get3A_308 = arith.index_cast %get3A_307 : i32 to index
        %get3A_309 = arith.index_cast %add3A_276 : i32 to index
        %get3A_310 = arith.constant 48 : index
        %get3A_311 = tpu.vector_load %arg6[%get3A_308, %get3A_309, %get3A_310] {strides = array<i32>} : memref<2x128x128xf32, #tpu.memory_space<vmem>>, vector<16xf32>,
        %swap3A_312 = arith.constant 0 : i32
        %swap3A_313 = arith.index_cast %swap3A_312 : i32 to index
        %swap3A_314 = arith.index_cast %add3A_276 : i32 to index
        %swap3A_315 = arith.constant 48 : index
        %swap3A_316 = tpu.vector_load %arg7[%swap3A_313, %swap3A_314, %swap3A_315] {strides = array<i32>} : memref<2x128x64xf32, #tpu.memory_space<vmem>>, vector<16xf32>,
        tpu.vector_store %arg7[%swap3A_313, %swap3A_314, %swap3A_315], %get3A_311 {strides = array<i32>} : memref<2x128x64xf32, #tpu.memory_space<vmem>>, vector<16xf32>,
        %mul3A_317 = arith.constant 16 : i32
        %mul3A_318 = arith.muli %scan3A_142, %mul3A_317 : i32
        %add3A_319 = arith.constant 4 : i32
        %add3A_320 = arith.addi %mul3A_318, %add3A_319 : i32
        %get3A_321 = arith.constant 0 : i32
        %get3A_322 = arith.index_cast %get3A_321 : i32 to index
        %get3A_323 = arith.index_cast %add3A_320 : i32 to index
        %get3A_324 = arith.constant 0 : index
        %get3A_325 = tpu.vector_load %arg6[%get3A_322, %get3A_323, %get3A_324] {strides = array<i32>} : memref<2x128x128xf32, #tpu.memory_space<vmem>>, vector<16xf32>,
        %swap3A_326 = arith.constant 0 : i32
        %swap3A_327 = arith.index_cast %swap3A_326 : i32 to index
        %swap3A_328 = arith.index_cast %add3A_320 : i32 to index
        %swap3A_329 = arith.constant 0 : index
        %swap3A_330 = tpu.vector_load %arg7[%swap3A_327, %swap3A_328, %swap3A_329] {strides = array<i32>} : memref<2x128x64xf32, #tpu.memory_space<vmem>>, vector<16xf32>,
        tpu.vector_store %arg7[%swap3A_327, %swap3A_328, %swap3A_329], %get3A_325 {strides = array<i32>} : memref<2x128x64xf32, #tpu.memory_space<vmem>>, vector<16xf32>,
        %get3A_331 = arith.constant 0 : i32
        %get3A_332 = arith.index_cast %get3A_331 : i32 to index
        %get3A_333 = arith.index_cast %add3A_320 : i32 to index
        %get3A_334 = arith.constant 16 : index
        %get3A_335 = tpu.vector_load %arg6[%get3A_332, %get3A_333, %get3A_334] {strides = array<i32>} : memref<2x128x128xf32, #tpu.memory_space<vmem>>, vector<16xf32>,
        %swap3A_336 = arith.constant 0 : i32
        %swap3A_337 = arith.index_cast %swap3A_336 : i32 to index
        %swap3A_338 = arith.index_cast %add3A_320 : i32 to index
        %swap3A_339 = arith.constant 16 : index
        %swap3A_340 = tpu.vector_load %arg7[%swap3A_337, %swap3A_338, %swap3A_339] {strides = array<i32>} : memref<2x128x64xf32, #tpu.memory_space<vmem>>, vector<16xf32>,
        tpu.vector_store %arg7[%swap3A_337, %swap3A_338, %swap3A_339], %get3A_335 {strides = array<i32>} : memref<2x128x64xf32, #tpu.memory_space<vmem>>, vector<16xf32>,
        %get3A_341 = arith.constant 0 : i32
        %get3A_342 = arith.index_cast %get3A_341 : i32 to index
        %get3A_343 = arith.index_cast %add3A_320 : i32 to index
        %get3A_344 = arith.constant 32 : index
        %get3A_345 = tpu.vector_load %arg6[%get3A_342, %get3A_343, %get3A_344] {strides = array<i32>} : memref<2x128x128xf32, #tpu.memory_space<vmem>>, vector<16xf32>,
        %swap3A_346 = arith.constant 0 : i32
        %swap3A_347 = arith.index_cast %swap3A_346 : i32 to index
        %swap3A_348 = arith.index_cast %add3A_320 : i32 to index
        %swap3A_349 = arith.constant 32 : index
        %swap3A_350 = tpu.vector_load %arg7[%swap3A_347, %swap3A_348, %swap3A_349] {strides = array<i32>} : memref<2x128x64xf32, #tpu.memory_space<vmem>>, vector<16xf32>,
        tpu.vector_store %arg7[%swap3A_347, %swap3A_348, %swap3A_349], %get3A_345 {strides = array<i32>} : memref<2x128x64xf32, #tpu.memory_space<vmem>>, vector<16xf32>,
        %get3A_351 = arith.constant 0 : i32
        %get3A_352 = arith.index_cast %get3A_351 : i32 to index
        %get3A_353 = arith.index_cast %add3A_320 : i32 to index
        %get3A_354 = arith.constant 48 : index
        %get3A_355 = tpu.vector_load %arg6[%get3A_352, %get3A_353, %get3A_354] {strides = array<i32>} : memref<2x128x128xf32, #tpu.memory_space<vmem>>, vector<16xf32>,
        %swap3A_356 = arith.constant 0 : i32
        %swap3A_357 = arith.index_cast %swap3A_356 : i32 to index
        %swap3A_358 = arith.index_cast %add3A_320 : i32 to index
        %swap3A_359 = arith.constant 48 : index
        %swap3A_360 = tpu.vector_load %arg7[%swap3A_357, %swap3A_358, %swap3A_359] {strides = array<i32>} : memref<2x128x64xf32, #tpu.memory_space<vmem>>, vector<16xf32>,
        tpu.vector_store %arg7[%swap3A_357, %swap3A_358, %swap3A_359], %get3A_355 {strides = array<i32>} : memref<2x128x64xf32, #tpu.memory_space<vmem>>, vector<16xf32>,
        %mul3A_361 = arith.constant 16 : i32
        %mul3A_362 = arith.muli %scan3A_142, %mul3A_361 : i32
        %add3A_363 = arith.constant 5 : i32
        %add3A_364 = arith.addi %mul3A_362, %add3A_363 : i32
        %get3A_365 = arith.constant 0 : i32
        %get3A_366 = arith.index_cast %get3A_365 : i32 to index
        %get3A_367 = arith.index_cast %add3A_364 : i32 to index
        %get3A_368 = arith.constant 0 : index
        %get3A_369 = tpu.vector_load %arg6[%get3A_366, %get3A_367, %get3A_368] {strides = array<i32>} : memref<2x128x128xf32, #tpu.memory_space<vmem>>, vector<16xf32>,
        %swap3A_370 = arith.constant 0 : i32
        %swap3A_371 = arith.index_cast %swap3A_370 : i32 to index
        %swap3A_372 = arith.index_cast %add3A_364 : i32 to index
        %swap3A_373 = arith.constant 0 : index
        %swap3A_374 = tpu.vector_load %arg7[%swap3A_371, %swap3A_372, %swap3A_373] {strides = array<i32>} : memref<2x128x64xf32, #tpu.memory_space<vmem>>, vector<16xf32>,
        tpu.vector_store %arg7[%swap3A_371, %swap3A_372, %swap3A_373], %get3A_369 {strides = array<i32>} : memref<2x128x64xf32, #tpu.memory_space<vmem>>, vector<16xf32>,
        %get3A_375 = arith.constant 0 : i32
        %get3A_376 = arith.index_cast %get3A_375 : i32 to index
        %get3A_377 = arith.index_cast %add3A_364 : i32 to index
        %get3A_378 = arith.constant 16 : index
        %get3A_379 = tpu.vector_load %arg6[%get3A_376, %get3A_377, %get3A_378] {strides = array<i32>} : memref<2x128x128xf32, #tpu.memory_space<vmem>>, vector<16xf32>,
        %swap3A_380 = arith.constant 0 : i32
        %swap3A_381 = arith.index_cast %swap3A_380 : i32 to index
        %swap3A_382 = arith.index_cast %add3A_364 : i32 to index
        %swap3A_383 = arith.constant 16 : index
        %swap3A_384 = tpu.vector_load %arg7[%swap3A_381, %swap3A_382, %swap3A_383] {strides = array<i32>} : memref<2x128x64xf32, #tpu.memory_space<vmem>>, vector<16xf32>,
        tpu.vector_store %arg7[%swap3A_381, %swap3A_382, %swap3A_383], %get3A_379 {strides = array<i32>} : memref<2x128x64xf32, #tpu.memory_space<vmem>>, vector<16xf32>,
        %get3A_385 = arith.constant 0 : i32
        %get3A_386 = arith.index_cast %get3A_385 : i32 to index
        %get3A_387 = arith.index_cast %add3A_364 : i32 to index
        %get3A_388 = arith.constant 32 : index
        %get3A_389 = tpu.vector_load %arg6[%get3A_386, %get3A_387, %get3A_388] {strides = array<i32>} : memref<2x128x128xf32, #tpu.memory_space<vmem>>, vector<16xf32>,
        %swap3A_390 = arith.constant 0 : i32
        %swap3A_391 = arith.index_cast %swap3A_390 : i32 to index
        %swap3A_392 = arith.index_cast %add3A_364 : i32 to index
        %swap3A_393 = arith.constant 32 : index
        %swap3A_394 = tpu.vector_load %arg7[%swap3A_391, %swap3A_392, %swap3A_393] {strides = array<i32>} : memref<2x128x64xf32, #tpu.memory_space<vmem>>, vector<16xf32>,
        tpu.vector_store %arg7[%swap3A_391, %swap3A_392, %swap3A_393], %get3A_389 {strides = array<i32>} : memref<2x128x64xf32, #tpu.memory_space<vmem>>, vector<16xf32>,
        %get3A_395 = arith.constant 0 : i32
        %get3A_396 = arith.index_cast %get3A_395 : i32 to index
        %get3A_397 = arith.index_cast %add3A_364 : i32 to index
        %get3A_398 = arith.constant 48 : index
        %get3A_399 = tpu.vector_load %arg6[%get3A_396, %get3A_397, %get3A_398] {strides = array<i32>} : memref<2x128x128xf32, #tpu.memory_space<vmem>>, vector<16xf32>,
        %swap3A_400 = arith.constant 0 : i32
        %swap3A_401 = arith.index_cast %swap3A_400 : i32 to index
        %swap3A_402 = arith.index_cast %add3A_364 : i32 to index
        %swap3A_403 = arith.constant 48 : index
        %swap3A_404 = tpu.vector_load %arg7[%swap3A_401, %swap3A_402, %swap3A_403] {strides = array<i32>} : memref<2x128x64xf32, #tpu.memory_space<vmem>>, vector<16xf32>,
        tpu.vector_store %arg7[%swap3A_401, %swap3A_402, %swap3A_403], %get3A_399 {strides = array<i32>} : memref<2x128x64xf32, #tpu.memory_space<vmem>>, vector<16xf32>,
        %mul3A_405 = arith.constant 16 : i32
        %mul3A_406 = arith.muli %scan3A_142, %mul3A_405 : i32
        %add3A_407 = arith.constant 6 : i32
        %add3A_408 = arith.addi %mul3A_406, %add3A_407 : i32
        %get3A_409 = arith.constant 0 : i32
        %get3A_410 = arith.index_cast %get3A_409 : i32 to index
        %get3A_411 = arith.index_cast %add3A_408 : i32 to index
        %get3A_412 = arith.constant 0 : index
        %get3A_413 = tpu.vector_load %arg6[%get3A_410, %get3A_411, %get3A_412] {strides = array<i32>} : memref<2x128x128xf32, #tpu.memory_space<vmem>>, vector<16xf32>,
        %swap3A_414 = arith.constant 0 : i32
        %swap3A_415 = arith.index_cast %swap3A_414 : i32 to index
        %swap3A_416 = arith.index_cast %add3A_408 : i32 to index
        %swap3A_417 = arith.constant 0 : index
        %swap3A_418 = tpu.vector_load %arg7[%swap3A_415, %swap3A_416, %swap3A_417] {strides = array<i32>} : memref<2x128x64xf32, #tpu.memory_space<vmem>>, vector<16xf32>,
        tpu.vector_store %arg7[%swap3A_415, %swap3A_416, %swap3A_417], %get3A_413 {strides = array<i32>} : memref<2x128x64xf32, #tpu.memory_space<vmem>>, vector<16xf32>,
        %get3A_419 = arith.constant 0 : i32
        %get3A_420 = arith.index_cast %get3A_419 : i32 to index
        %get3A_421 = arith.index_cast %add3A_408 : i32 to index
        %get3A_422 = arith.constant 16 : index
        %get3A_423 = tpu.vector_load %arg6[%get3A_420, %get3A_421, %get3A_422] {strides = array<i32>} : memref<2x128x128xf32, #tpu.memory_space<vmem>>, vector<16xf32>,
        %swap3A_424 = arith.constant 0 : i32
        %swap3A_425 = arith.index_cast %swap3A_424 : i32 to index
        %swap3A_426 = arith.index_cast %add3A_408 : i32 to index
        %swap3A_427 = arith.constant 16 : index
        %swap3A_428 = tpu.vector_load %arg7[%swap3A_425, %swap3A_426, %swap3A_427] {strides = array<i32>} : memref<2x128x64xf32, #tpu.memory_space<vmem>>, vector<16xf32>,
        tpu.vector_store %arg7[%swap3A_425, %swap3A_426, %swap3A_427], %get3A_423 {strides = array<i32>} : memref<2x128x64xf32, #tpu.memory_space<vmem>>, vector<16xf32>,
        %get3A_429 = arith.constant 0 : i32
        %get3A_430 = arith.index_cast %get3A_429 : i32 to index
        %get3A_431 = arith.index_cast %add3A_408 : i32 to index
        %get3A_432 = arith.constant 32 : index
        %get3A_433 = tpu.vector_load %arg6[%get3A_430, %get3A_431, %get3A_432] {strides = array<i32>} : memref<2x128x128xf32, #tpu.memory_space<vmem>>, vector<16xf32>,
        %swap3A_434 = arith.constant 0 : i32
        %swap3A_435 = arith.index_cast %swap3A_434 : i32 to index
        %swap3A_436 = arith.index_cast %add3A_408 : i32 to index
        %swap3A_437 = arith.constant 32 : index
        %swap3A_438 = tpu.vector_load %arg7[%swap3A_435, %swap3A_436, %swap3A_437] {strides = array<i32>} : memref<2x128x64xf32, #tpu.memory_space<vmem>>, vector<16xf32>,
        tpu.vector_store %arg7[%swap3A_435, %swap3A_436, %swap3A_437], %get3A_433 {strides = array<i32>} : memref<2x128x64xf32, #tpu.memory_space<vmem>>, vector<16xf32>,
        %get3A_439 = arith.constant 0 : i32
        %get3A_440 = arith.index_cast %get3A_439 : i32 to index
        %get3A_441 = arith.index_cast %add3A_408 : i32 to index
        %get3A_442 = arith.constant 48 : index
        %get3A_443 = tpu.vector_load %arg6[%get3A_440, %get3A_441, %get3A_442] {strides = array<i32>} : memref<2x128x128xf32, #tpu.memory_space<vmem>>, vector<16xf32>,
        %swap3A_444 = arith.constant 0 : i32
        %swap3A_445 = arith.index_cast %swap3A_444 : i32 to index
        %swap3A_446 = arith.index_cast %add3A_408 : i32 to index
        %swap3A_447 = arith.constant 48 : index
        %swap3A_448 = tpu.vector_load %arg7[%swap3A_445, %swap3A_446, %swap3A_447] {strides = array<i32>} : memref<2x128x64xf32, #tpu.memory_space<vmem>>, vector<16xf32>,
        tpu.vector_store %arg7[%swap3A_445, %swap3A_446, %swap3A_447], %get3A_443 {strides = array<i32>} : memref<2x128x64xf32, #tpu.memory_space<vmem>>, vector<16xf32>,
        %mul3A_449 = arith.constant 16 : i32
        %mul3A_450 = arith.muli %scan3A_142, %mul3A_449 : i32
        %add3A_451 = arith.constant 7 : i32
        %add3A_452 = arith.addi %mul3A_450, %add3A_451 : i32
        %get3A_453 = arith.constant 0 : i32
        %get3A_454 = arith.index_cast %get3A_453 : i32 to index
        %get3A_455 = arith.index_cast %add3A_452 : i32 to index
        %get3A_456 = arith.constant 0 : index
        %get3A_457 = tpu.vector_load %arg6[%get3A_454, %get3A_455, %get3A_456] {strides = array<i32>} : memref<2x128x128xf32, #tpu.memory_space<vmem>>, vector<16xf32>,
        %swap3A_458 = arith.constant 0 : i32
        %swap3A_459 = arith.index_cast %swap3A_458 : i32 to index
        %swap3A_460 = arith.index_cast %add3A_452 : i32 to index
        %swap3A_461 = arith.constant 0 : index
        %swap3A_462 = tpu.vector_load %arg7[%swap3A_459, %swap3A_460, %swap3A_461] {strides = array<i32>} : memref<2x128x64xf32, #tpu.memory_space<vmem>>, vector<16xf32>,
        tpu.vector_store %arg7[%swap3A_459, %swap3A_460, %swap3A_461], %get3A_457 {strides = array<i32>} : memref<2x128x64xf32, #tpu.memory_space<vmem>>, vector<16xf32>,
        %get3A_463 = arith.constant 0 : i32
        %get3A_464 = arith.index_cast %get3A_463 : i32 to index
        %get3A_465 = arith.index_cast %add3A_452 : i32 to index
        %get3A_466 = arith.constant 16 : index
        %get3A_467 = tpu.vector_load %arg6[%get3A_464, %get3A_465, %get3A_466] {strides = array<i32>} : memref<2x128x128xf32, #tpu.memory_space<vmem>>, vector<16xf32>,
        %swap3A_468 = arith.constant 0 : i32
        %swap3A_469 = arith.index_cast %swap3A_468 : i32 to index
        %swap3A_470 = arith.index_cast %add3A_452 : i32 to index
        %swap3A_471 = arith.constant 16 : index
        %swap3A_472 = tpu.vector_load %arg7[%swap3A_469, %swap3A_470, %swap3A_471] {strides = array<i32>} : memref<2x128x64xf32, #tpu.memory_space<vmem>>, vector<16xf32>,
        tpu.vector_store %arg7[%swap3A_469, %swap3A_470, %swap3A_471], %get3A_467 {strides = array<i32>} : memref<2x128x64xf32, #tpu.memory_space<vmem>>, vector<16xf32>,
        %get3A_473 = arith.constant 0 : i32
        %get3A_474 = arith.index_cast %get3A_473 : i32 to index
        %get3A_475 = arith.index_cast %add3A_452 : i32 to index
        %get3A_476 = arith.constant 32 : index
        %get3A_477 = tpu.vector_load %arg6[%get3A_474, %get3A_475, %get3A_476] {strides = array<i32>} : memref<2x128x128xf32, #tpu.memory_space<vmem>>, vector<16xf32>,
        %swap3A_478 = arith.constant 0 : i32
        %swap3A_479 = arith.index_cast %swap3A_478 : i32 to index
        %swap3A_480 = arith.index_cast %add3A_452 : i32 to index
        %swap3A_481 = arith.constant 32 : index
        %swap3A_482 = tpu.vector_load %arg7[%swap3A_479, %swap3A_480, %swap3A_481] {strides = array<i32>} : memref<2x128x64xf32, #tpu.memory_space<vmem>>, vector<16xf32>,
        tpu.vector_store %arg7[%swap3A_479, %swap3A_480, %swap3A_481], %get3A_477 {strides = array<i32>} : memref<2x128x64xf32, #tpu.memory_space<vmem>>, vector<16xf32>,
        %get3A_483 = arith.constant 0 : i32
        %get3A_484 = arith.index_cast %get3A_483 : i32 to index
        %get3A_485 = arith.index_cast %add3A_452 : i32 to index
        %get3A_486 = arith.constant 48 : index
        %get3A_487 = tpu.vector_load %arg6[%get3A_484, %get3A_485, %get3A_486] {strides = array<i32>} : memref<2x128x128xf32, #tpu.memory_space<vmem>>, vector<16xf32>,
        %swap3A_488 = arith.constant 0 : i32
        %swap3A_489 = arith.index_cast %swap3A_488 : i32 to index
        %swap3A_490 = arith.index_cast %add3A_452 : i32 to index
        %swap3A_491 = arith.constant 48 : index
        %swap3A_492 = tpu.vector_load %arg7[%swap3A_489, %swap3A_490, %swap3A_491] {strides = array<i32>} : memref<2x128x64xf32, #tpu.memory_space<vmem>>, vector<16xf32>,
        tpu.vector_store %arg7[%swap3A_489, %swap3A_490, %swap3A_491], %get3A_487 {strides = array<i32>} : memref<2x128x64xf32, #tpu.memory_space<vmem>>, vector<16xf32>,
        %mul3A_493 = arith.constant 16 : i32
        %mul3A_494 = arith.muli %scan3A_142, %mul3A_493 : i32
        %add3A_495 = arith.constant 8 : i32
        %add3A_496 = arith.addi %mul3A_494, %add3A_495 : i32
        %get3A_497 = arith.constant 0 : i32
        %get3A_498 = arith.index_cast %get3A_497 : i32 to index
        %get3A_499 = arith.index_cast %add3A_496 : i32 to index
        %get3A_500 = arith.constant 0 : index
        %get3A_501 = tpu.vector_load %arg6[%get3A_498, %get3A_499, %get3A_500] {strides = array<i32>} : memref<2x128x128xf32, #tpu.memory_space<vmem>>, vector<16xf32>,
        %swap3A_502 = arith.constant 0 : i32
        %swap3A_503 = arith.index_cast %swap3A_502 : i32 to index
        %swap3A_504 = arith.index_cast %add3A_496 : i32 to index
        %swap3A_505 = arith.constant 0 : index
        %swap3A_506 = tpu.vector_load %arg7[%swap3A_503, %swap3A_504, %swap3A_505] {strides = array<i32>} : memref<2x128x64xf32, #tpu.memory_space<vmem>>, vector<16xf32>,
        tpu.vector_store %arg7[%swap3A_503, %swap3A_504, %swap3A_505], %get3A_501 {strides = array<i32>} : memref<2x128x64xf32, #tpu.memory_space<vmem>>, vector<16xf32>,
        %get3A_507 = arith.constant 0 : i32
        %get3A_508 = arith.index_cast %get3A_507 : i32 to index
        %get3A_509 = arith.index_cast %add3A_496 : i32 to index
        %get3A_510 = arith.constant 16 : index
        %get3A_511 = tpu.vector_load %arg6[%get3A_508, %get3A_509, %get3A_510] {strides = array<i32>} : memref<2x128x128xf32, #tpu.memory_space<vmem>>, vector<16xf32>,
        %swap3A_512 = arith.constant 0 : i32
        %swap3A_513 = arith.index_cast %swap3A_512 : i32 to index
        %swap3A_514 = arith.index_cast %add3A_496 : i32 to index
        %swap3A_515 = arith.constant 16 : index
        %swap3A_516 = tpu.vector_load %arg7[%swap3A_513, %swap3A_514, %swap3A_515] {strides = array<i32>} : memref<2x128x64xf32, #tpu.memory_space<vmem>>, vector<16xf32>,
        tpu.vector_store %arg7[%swap3A_513, %swap3A_514, %swap3A_515], %get3A_511 {strides = array<i32>} : memref<2x128x64xf32, #tpu.memory_space<vmem>>, vector<16xf32>,
        %get3A_517 = arith.constant 0 : i32
        %get3A_518 = arith.index_cast %get3A_517 : i32 to index
        %get3A_519 = arith.index_cast %add3A_496 : i32 to index
        %get3A_520 = arith.constant 32 : index
        %get3A_521 = tpu.vector_load %arg6[%get3A_518, %get3A_519, %get3A_520] {strides = array<i32>} : memref<2x128x128xf32, #tpu.memory_space<vmem>>, vector<16xf32>,
        %swap3A_522 = arith.constant 0 : i32
        %swap3A_523 = arith.index_cast %swap3A_522 : i32 to index
        %swap3A_524 = arith.index_cast %add3A_496 : i32 to index
        %swap3A_525 = arith.constant 32 : index
        %swap3A_526 = tpu.vector_load %arg7[%swap3A_523, %swap3A_524, %swap3A_525] {strides = array<i32>} : memref<2x128x64xf32, #tpu.memory_space<vmem>>, vector<16xf32>,
        tpu.vector_store %arg7[%swap3A_523, %swap3A_524, %swap3A_525], %get3A_521 {strides = array<i32>} : memref<2x128x64xf32, #tpu.memory_space<vmem>>, vector<16xf32>,
        %get3A_527 = arith.constant 0 : i32
        %get3A_528 = arith.index_cast %get3A_527 : i32 to index
        %get3A_529 = arith.index_cast %add3A_496 : i32 to index
        %get3A_530 = arith.constant 48 : index
        %get3A_531 = tpu.vector_load %arg6[%get3A_528, %get3A_529, %get3A_530] {strides = array<i32>} : memref<2x128x128xf32, #tpu.memory_space<vmem>>, vector<16xf32>,
        %swap3A_532 = arith.constant 0 : i32
        %swap3A_533 = arith.index_cast %swap3A_532 : i32 to index
        %swap3A_534 = arith.index_cast %add3A_496 : i32 to index
        %swap3A_535 = arith.constant 48 : index
        %swap3A_536 = tpu.vector_load %arg7[%swap3A_533, %swap3A_534, %swap3A_535] {strides = array<i32>} : memref<2x128x64xf32, #tpu.memory_space<vmem>>, vector<16xf32>,
        tpu.vector_store %arg7[%swap3A_533, %swap3A_534, %swap3A_535], %get3A_531 {strides = array<i32>} : memref<2x128x64xf32, #tpu.memory_space<vmem>>, vector<16xf32>,
        %mul3A_537 = arith.constant 16 : i32
        %mul3A_538 = arith.muli %scan3A_142, %mul3A_537 : i32
        %add3A_539 = arith.constant 9 : i32
        %add3A_540 = arith.addi %mul3A_538, %add3A_539 : i32
        %get3A_541 = arith.constant 0 : i32
        %get3A_542 = arith.index_cast %get3A_541 : i32 to index
        %get3A_543 = arith.index_cast %add3A_540 : i32 to index
        %get3A_544 = arith.constant 0 : index
        %get3A_545 = tpu.vector_load %arg6[%get3A_542, %get3A_543, %get3A_544] {strides = array<i32>} : memref<2x128x128xf32, #tpu.memory_space<vmem>>, vector<16xf32>,
        %swap3A_546 = arith.constant 0 : i32
        %swap3A_547 = arith.index_cast %swap3A_546 : i32 to index
        %swap3A_548 = arith.index_cast %add3A_540 : i32 to index
        %swap3A_549 = arith.constant 0 : index
        %swap3A_550 = tpu.vector_load %arg7[%swap3A_547, %swap3A_548, %swap3A_549] {strides = array<i32>} : memref<2x128x64xf32, #tpu.memory_space<vmem>>, vector<16xf32>,
        tpu.vector_store %arg7[%swap3A_547, %swap3A_548, %swap3A_549], %get3A_545 {strides = array<i32>} : memref<2x128x64xf32, #tpu.memory_space<vmem>>, vector<16xf32>,
        %get3A_551 = arith.constant 0 : i32
        %get3A_552 = arith.index_cast %get3A_551 : i32 to index
        %get3A_553 = arith.index_cast %add3A_540 : i32 to index
        %get3A_554 = arith.constant 16 : index
        %get3A_555 = tpu.vector_load %arg6[%get3A_552, %get3A_553, %get3A_554] {strides = array<i32>} : memref<2x128x128xf32, #tpu.memory_space<vmem>>, vector<16xf32>,
        %swap3A_556 = arith.constant 0 : i32
        %swap3A_557 = arith.index_cast %swap3A_556 : i32 to index
        %swap3A_558 = arith.index_cast %add3A_540 : i32 to index
        %swap3A_559 = arith.constant 16 : index
        %swap3A_560 = tpu.vector_load %arg7[%swap3A_557, %swap3A_558, %swap3A_559] {strides = array<i32>} : memref<2x128x64xf32, #tpu.memory_space<vmem>>, vector<16xf32>,
        tpu.vector_store %arg7[%swap3A_557, %swap3A_558, %swap3A_559], %get3A_555 {strides = array<i32>} : memref<2x128x64xf32, #tpu.memory_space<vmem>>, vector<16xf32>,
        %get3A_561 = arith.constant 0 : i32
        %get3A_562 = arith.index_cast %get3A_561 : i32 to index
        %get3A_563 = arith.index_cast %add3A_540 : i32 to index
        %get3A_564 = arith.constant 32 : index
        %get3A_565 = tpu.vector_load %arg6[%get3A_562, %get3A_563, %get3A_564] {strides = array<i32>} : memref<2x128x128xf32, #tpu.memory_space<vmem>>, vector<16xf32>,
        %swap3A_566 = arith.constant 0 : i32
        %swap3A_567 = arith.index_cast %swap3A_566 : i32 to index
        %swap3A_568 = arith.index_cast %add3A_540 : i32 to index
        %swap3A_569 = arith.constant 32 : index
        %swap3A_570 = tpu.vector_load %arg7[%swap3A_567, %swap3A_568, %swap3A_569] {strides = array<i32>} : memref<2x128x64xf32, #tpu.memory_space<vmem>>, vector<16xf32>,
        tpu.vector_store %arg7[%swap3A_567, %swap3A_568, %swap3A_569], %get3A_565 {strides = array<i32>} : memref<2x128x64xf32, #tpu.memory_space<vmem>>, vector<16xf32>,
        %get3A_571 = arith.constant 0 : i32
        %get3A_572 = arith.index_cast %get3A_571 : i32 to index
        %get3A_573 = arith.index_cast %add3A_540 : i32 to index
        %get3A_574 = arith.constant 48 : index
        %get3A_575 = tpu.vector_load %arg6[%get3A_572, %get3A_573, %get3A_574] {strides = array<i32>} : memref<2x128x128xf32, #tpu.memory_space<vmem>>, vector<16xf32>,
        %swap3A_576 = arith.constant 0 : i32
        %swap3A_577 = arith.index_cast %swap3A_576 : i32 to index
        %swap3A_578 = arith.index_cast %add3A_540 : i32 to index
        %swap3A_579 = arith.constant 48 : index
        %swap3A_580 = tpu.vector_load %arg7[%swap3A_577, %swap3A_578, %swap3A_579] {strides = array<i32>} : memref<2x128x64xf32, #tpu.memory_space<vmem>>, vector<16xf32>,
        tpu.vector_store %arg7[%swap3A_577, %swap3A_578, %swap3A_579], %get3A_575 {strides = array<i32>} : memref<2x128x64xf32, #tpu.memory_space<vmem>>, vector<16xf32>,
        %mul3A_581 = arith.constant 16 : i32
        %mul3A_582 = arith.muli %scan3A_142, %mul3A_581 : i32
        %add3A_583 = arith.constant 10 : i32
        %add3A_584 = arith.addi %mul3A_582, %add3A_583 : i32
        %get3A_585 = arith.constant 0 : i32
        %get3A_586 = arith.index_cast %get3A_585 : i32 to index
        %get3A_587 = arith.index_cast %add3A_584 : i32 to index
        %get3A_588 = arith.constant 0 : index
        %get3A_589 = tpu.vector_load %arg6[%get3A_586, %get3A_587, %get3A_588] {strides = array<i32>} : memref<2x128x128xf32, #tpu.memory_space<vmem>>, vector<16xf32>,
        %swap3A_590 = arith.constant 0 : i32
        %swap3A_591 = arith.index_cast %swap3A_590 : i32 to index
        %swap3A_592 = arith.index_cast %add3A_584 : i32 to index
        %swap3A_593 = arith.constant 0 : index
        %swap3A_594 = tpu.vector_load %arg7[%swap3A_591, %swap3A_592, %swap3A_593] {strides = array<i32>} : memref<2x128x64xf32, #tpu.memory_space<vmem>>, vector<16xf32>,
        tpu.vector_store %arg7[%swap3A_591, %swap3A_592, %swap3A_593], %get3A_589 {strides = array<i32>} : memref<2x128x64xf32, #tpu.memory_space<vmem>>, vector<16xf32>,
        %get3A_595 = arith.constant 0 : i32
        %get3A_596 = arith.index_cast %get3A_595 : i32 to index
        %get3A_597 = arith.index_cast %add3A_584 : i32 to index
        %get3A_598 = arith.constant 16 : index
        %get3A_599 = tpu.vector_load %arg6[%get3A_596, %get3A_597, %get3A_598] {strides = array<i32>} : memref<2x128x128xf32, #tpu.memory_space<vmem>>, vector<16xf32>,
        %swap3A_600 = arith.constant 0 : i32
        %swap3A_601 = arith.index_cast %swap3A_600 : i32 to index
        %swap3A_602 = arith.index_cast %add3A_584 : i32 to index
        %swap3A_603 = arith.constant 16 : index
        %swap3A_604 = tpu.vector_load %arg7[%swap3A_601, %swap3A_602, %swap3A_603] {strides = array<i32>} : memref<2x128x64xf32, #tpu.memory_space<vmem>>, vector<16xf32>,
        tpu.vector_store %arg7[%swap3A_601, %swap3A_602, %swap3A_603], %get3A_599 {strides = array<i32>} : memref<2x128x64xf32, #tpu.memory_space<vmem>>, vector<16xf32>,
        %get3A_605 = arith.constant 0 : i32
        %get3A_606 = arith.index_cast %get3A_605 : i32 to index
        %get3A_607 = arith.index_cast %add3A_584 : i32 to index
        %get3A_608 = arith.constant 32 : index
        %get3A_609 = tpu.vector_load %arg6[%get3A_606, %get3A_607, %get3A_608] {strides = array<i32>} : memref<2x128x128xf32, #tpu.memory_space<vmem>>, vector<16xf32>,
        %swap3A_610 = arith.constant 0 : i32
        %swap3A_611 = arith.index_cast %swap3A_610 : i32 to index
        %swap3A_612 = arith.index_cast %add3A_584 : i32 to index
        %swap3A_613 = arith.constant 32 : index
        %swap3A_614 = tpu.vector_load %arg7[%swap3A_611, %swap3A_612, %swap3A_613] {strides = array<i32>} : memref<2x128x64xf32, #tpu.memory_space<vmem>>, vector<16xf32>,
        tpu.vector_store %arg7[%swap3A_611, %swap3A_612, %swap3A_613], %get3A_609 {strides = array<i32>} : memref<2x128x64xf32, #tpu.memory_space<vmem>>, vector<16xf32>,
        %get3A_615 = arith.constant 0 : i32
        %get3A_616 = arith.index_cast %get3A_615 : i32 to index
        %get3A_617 = arith.index_cast %add3A_584 : i32 to index
        %get3A_618 = arith.constant 48 : index
        %get3A_619 = tpu.vector_load %arg6[%get3A_616, %get3A_617, %get3A_618] {strides = array<i32>} : memref<2x128x128xf32, #tpu.memory_space<vmem>>, vector<16xf32>,
        %swap3A_620 = arith.constant 0 : i32
        %swap3A_621 = arith.index_cast %swap3A_620 : i32 to index
        %swap3A_622 = arith.index_cast %add3A_584 : i32 to index
        %swap3A_623 = arith.constant 48 : index
        %swap3A_624 = tpu.vector_load %arg7[%swap3A_621, %swap3A_622, %swap3A_623] {strides = array<i32>} : memref<2x128x64xf32, #tpu.memory_space<vmem>>, vector<16xf32>,
        tpu.vector_store %arg7[%swap3A_621, %swap3A_622, %swap3A_623], %get3A_619 {strides = array<i32>} : memref<2x128x64xf32, #tpu.memory_space<vmem>>, vector<16xf32>,
        %mul3A_625 = arith.constant 16 : i32
        %mul3A_626 = arith.muli %scan3A_142, %mul3A_625 : i32
        %add3A_627 = arith.constant 11 : i32
        %add3A_628 = arith.addi %mul3A_626, %add3A_627 : i32
        %get3A_629 = arith.constant 0 : i32
        %get3A_630 = arith.index_cast %get3A_629 : i32 to index
        %get3A_631 = arith.index_cast %add3A_628 : i32 to index
        %get3A_632 = arith.constant 0 : index
        %get3A_633 = tpu.vector_load %arg6[%get3A_630, %get3A_631, %get3A_632] {strides = array<i32>} : memref<2x128x128xf32, #tpu.memory_space<vmem>>, vector<16xf32>,
        %swap3A_634 = arith.constant 0 : i32
        %swap3A_635 = arith.index_cast %swap3A_634 : i32 to index
        %swap3A_636 = arith.index_cast %add3A_628 : i32 to index
        %swap3A_637 = arith.constant 0 : index
        %swap3A_638 = tpu.vector_load %arg7[%swap3A_635, %swap3A_636, %swap3A_637] {strides = array<i32>} : memref<2x128x64xf32, #tpu.memory_space<vmem>>, vector<16xf32>,
        tpu.vector_store %arg7[%swap3A_635, %swap3A_636, %swap3A_637], %get3A_633 {strides = array<i32>} : memref<2x128x64xf32, #tpu.memory_space<vmem>>, vector<16xf32>,
        %get3A_639 = arith.constant 0 : i32
        %get3A_640 = arith.index_cast %get3A_639 : i32 to index
        %get3A_641 = arith.index_cast %add3A_628 : i32 to index
        %get3A_642 = arith.constant 16 : index
        %get3A_643 = tpu.vector_load %arg6[%get3A_640, %get3A_641, %get3A_642] {strides = array<i32>} : memref<2x128x128xf32, #tpu.memory_space<vmem>>, vector<16xf32>,
        %swap3A_644 = arith.constant 0 : i32
        %swap3A_645 = arith.index_cast %swap3A_644 : i32 to index
        %swap3A_646 = arith.index_cast %add3A_628 : i32 to index
        %swap3A_647 = arith.constant 16 : index
        %swap3A_648 = tpu.vector_load %arg7[%swap3A_645, %swap3A_646, %swap3A_647] {strides = array<i32>} : memref<2x128x64xf32, #tpu.memory_space<vmem>>, vector<16xf32>,
        tpu.vector_store %arg7[%swap3A_645, %swap3A_646, %swap3A_647], %get3A_643 {strides = array<i32>} : memref<2x128x64xf32, #tpu.memory_space<vmem>>, vector<16xf32>,
        %get3A_649 = arith.constant 0 : i32
        %get3A_650 = arith.index_cast %get3A_649 : i32 to index
        %get3A_651 = arith.index_cast %add3A_628 : i32 to index
        %get3A_652 = arith.constant 32 : index
        %get3A_653 = tpu.vector_load %arg6[%get3A_650, %get3A_651, %get3A_652] {strides = array<i32>} : memref<2x128x128xf32, #tpu.memory_space<vmem>>, vector<16xf32>,
        %swap3A_654 = arith.constant 0 : i32
        %swap3A_655 = arith.index_cast %swap3A_654 : i32 to index
        %swap3A_656 = arith.index_cast %add3A_628 : i32 to index
        %swap3A_657 = arith.constant 32 : index
        %swap3A_658 = tpu.vector_load %arg7[%swap3A_655, %swap3A_656, %swap3A_657] {strides = array<i32>} : memref<2x128x64xf32, #tpu.memory_space<vmem>>, vector<16xf32>,
        tpu.vector_store %arg7[%swap3A_655, %swap3A_656, %swap3A_657], %get3A_653 {strides = array<i32>} : memref<2x128x64xf32, #tpu.memory_space<vmem>>, vector<16xf32>,
        %get3A_659 = arith.constant 0 : i32
        %get3A_660 = arith.index_cast %get3A_659 : i32 to index
        %get3A_661 = arith.index_cast %add3A_628 : i32 to index
        %get3A_662 = arith.constant 48 : index
        %get3A_663 = tpu.vector_load %arg6[%get3A_660, %get3A_661, %get3A_662] {strides = array<i32>} : memref<2x128x128xf32, #tpu.memory_space<vmem>>, vector<16xf32>,
        %swap3A_664 = arith.constant 0 : i32
        %swap3A_665 = arith.index_cast %swap3A_664 : i32 to index
        %swap3A_666 = arith.index_cast %add3A_628 : i32 to index
        %swap3A_667 = arith.constant 48 : index
        %swap3A_668 = tpu.vector_load %arg7[%swap3A_665, %swap3A_666, %swap3A_667] {strides = array<i32>} : memref<2x128x64xf32, #tpu.memory_space<vmem>>, vector<16xf32>,
        tpu.vector_store %arg7[%swap3A_665, %swap3A_666, %swap3A_667], %get3A_663 {strides = array<i32>} : memref<2x128x64xf32, #tpu.memory_space<vmem>>, vector<16xf32>,
        %mul3A_669 = arith.constant 16 : i32
        %mul3A_670 = arith.muli %scan3A_142, %mul3A_669 : i32
        %add3A_671 = arith.constant 12 : i32
        %add3A_672 = arith.addi %mul3A_670, %add3A_671 : i32
        %get3A_673 = arith.constant 0 : i32
        %get3A_674 = arith.index_cast %get3A_673 : i32 to index
        %get3A_675 = arith.index_cast %add3A_672 : i32 to index
        %get3A_676 = arith.constant 0 : index
        %get3A_677 = tpu.vector_load %arg6[%get3A_674, %get3A_675, %get3A_676] {strides = array<i32>} : memref<2x128x128xf32, #tpu.memory_space<vmem>>, vector<16xf32>,
        %swap3A_678 = arith.constant 0 : i32
        %swap3A_679 = arith.index_cast %swap3A_678 : i32 to index
        %swap3A_680 = arith.index_cast %add3A_672 : i32 to index
        %swap3A_681 = arith.constant 0 : index
        %swap3A_682 = tpu.vector_load %arg7[%swap3A_679, %swap3A_680, %swap3A_681] {strides = array<i32>} : memref<2x128x64xf32, #tpu.memory_space<vmem>>, vector<16xf32>,
        tpu.vector_store %arg7[%swap3A_679, %swap3A_680, %swap3A_681], %get3A_677 {strides = array<i32>} : memref<2x128x64xf32, #tpu.memory_space<vmem>>, vector<16xf32>,
        %get3A_683 = arith.constant 0 : i32
        %get3A_684 = arith.index_cast %get3A_683 : i32 to index
        %get3A_685 = arith.index_cast %add3A_672 : i32 to index
        %get3A_686 = arith.constant 16 : index
        %get3A_687 = tpu.vector_load %arg6[%get3A_684, %get3A_685, %get3A_686] {strides = array<i32>} : memref<2x128x128xf32, #tpu.memory_space<vmem>>, vector<16xf32>,
        %swap3A_688 = arith.constant 0 : i32
        %swap3A_689 = arith.index_cast %swap3A_688 : i32 to index
        %swap3A_690 = arith.index_cast %add3A_672 : i32 to index
        %swap3A_691 = arith.constant 16 : index
        %swap3A_692 = tpu.vector_load %arg7[%swap3A_689, %swap3A_690, %swap3A_691] {strides = array<i32>} : memref<2x128x64xf32, #tpu.memory_space<vmem>>, vector<16xf32>,
        tpu.vector_store %arg7[%swap3A_689, %swap3A_690, %swap3A_691], %get3A_687 {strides = array<i32>} : memref<2x128x64xf32, #tpu.memory_space<vmem>>, vector<16xf32>,
        %get3A_693 = arith.constant 0 : i32
        %get3A_694 = arith.index_cast %get3A_693 : i32 to index
        %get3A_695 = arith.index_cast %add3A_672 : i32 to index
        %get3A_696 = arith.constant 32 : index
        %get3A_697 = tpu.vector_load %arg6[%get3A_694, %get3A_695, %get3A_696] {strides = array<i32>} : memref<2x128x128xf32, #tpu.memory_space<vmem>>, vector<16xf32>,
        %swap3A_698 = arith.constant 0 : i32
        %swap3A_699 = arith.index_cast %swap3A_698 : i32 to index
        %swap3A_700 = arith.index_cast %add3A_672 : i32 to index
        %swap3A_701 = arith.constant 32 : index
        %swap3A_702 = tpu.vector_load %arg7[%swap3A_699, %swap3A_700, %swap3A_701] {strides = array<i32>} : memref<2x128x64xf32, #tpu.memory_space<vmem>>, vector<16xf32>,
        tpu.vector_store %arg7[%swap3A_699, %swap3A_700, %swap3A_701], %get3A_697 {strides = array<i32>} : memref<2x128x64xf32, #tpu.memory_space<vmem>>, vector<16xf32>,
        %get3A_703 = arith.constant 0 : i32
        %get3A_704 = arith.index_cast %get3A_703 : i32 to index
        %get3A_705 = arith.index_cast %add3A_672 : i32 to index
        %get3A_706 = arith.constant 48 : index
        %get3A_707 = tpu.vector_load %arg6[%get3A_704, %get3A_705, %get3A_706] {strides = array<i32>} : memref<2x128x128xf32, #tpu.memory_space<vmem>>, vector<16xf32>,
        %swap3A_708 = arith.constant 0 : i32
        %swap3A_709 = arith.index_cast %swap3A_708 : i32 to index
        %swap3A_710 = arith.index_cast %add3A_672 : i32 to index
        %swap3A_711 = arith.constant 48 : index
        %swap3A_712 = tpu.vector_load %arg7[%swap3A_709, %swap3A_710, %swap3A_711] {strides = array<i32>} : memref<2x128x64xf32, #tpu.memory_space<vmem>>, vector<16xf32>,
        tpu.vector_store %arg7[%swap3A_709, %swap3A_710, %swap3A_711], %get3A_707 {strides = array<i32>} : memref<2x128x64xf32, #tpu.memory_space<vmem>>, vector<16xf32>,
        %mul3A_713 = arith.constant 16 : i32
        %mul3A_714 = arith.muli %scan3A_142, %mul3A_713 : i32
        %add3A_715 = arith.constant 13 : i32
        %add3A_716 = arith.addi %mul3A_714, %add3A_715 : i32
        %get3A_717 = arith.constant 0 : i32
        %get3A_718 = arith.index_cast %get3A_717 : i32 to index
        %get3A_719 = arith.index_cast %add3A_716 : i32 to index
        %get3A_720 = arith.constant 0 : index
        %get3A_721 = tpu.vector_load %arg6[%get3A_718, %get3A_719, %get3A_720] {strides = array<i32>} : memref<2x128x128xf32, #tpu.memory_space<vmem>>, vector<16xf32>,
        %swap3A_722 = arith.constant 0 : i32
        %swap3A_723 = arith.index_cast %swap3A_722 : i32 to index
        %swap3A_724 = arith.index_cast %add3A_716 : i32 to index
        %swap3A_725 = arith.constant 0 : index
        %swap3A_726 = tpu.vector_load %arg7[%swap3A_723, %swap3A_724, %swap3A_725] {strides = array<i32>} : memref<2x128x64xf32, #tpu.memory_space<vmem>>, vector<16xf32>,
        tpu.vector_store %arg7[%swap3A_723, %swap3A_724, %swap3A_725], %get3A_721 {strides = array<i32>} : memref<2x128x64xf32, #tpu.memory_space<vmem>>, vector<16xf32>,
        %get3A_727 = arith.constant 0 : i32
        %get3A_728 = arith.index_cast %get3A_727 : i32 to index
        %get3A_729 = arith.index_cast %add3A_716 : i32 to index
        %get3A_730 = arith.constant 16 : index
        %get3A_731 = tpu.vector_load %arg6[%get3A_728, %get3A_729, %get3A_730] {strides = array<i32>} : memref<2x128x128xf32, #tpu.memory_space<vmem>>, vector<16xf32>,
        %swap3A_732 = arith.constant 0 : i32
        %swap3A_733 = arith.index_cast %swap3A_732 : i32 to index
        %swap3A_734 = arith.index_cast %add3A_716 : i32 to index
        %swap3A_735 = arith.constant 16 : index
        %swap3A_736 = tpu.vector_load %arg7[%swap3A_733, %swap3A_734, %swap3A_735] {strides = array<i32>} : memref<2x128x64xf32, #tpu.memory_space<vmem>>, vector<16xf32>,
        tpu.vector_store %arg7[%swap3A_733, %swap3A_734, %swap3A_735], %get3A_731 {strides = array<i32>} : memref<2x128x64xf32, #tpu.memory_space<vmem>>, vector<16xf32>,
        %get3A_737 = arith.constant 0 : i32
        %get3A_738 = arith.index_cast %get3A_737 : i32 to index
        %get3A_739 = arith.index_cast %add3A_716 : i32 to index
        %get3A_740 = arith.constant 32 : index
        %get3A_741 = tpu.vector_load %arg6[%get3A_738, %get3A_739, %get3A_740] {strides = array<i32>} : memref<2x128x128xf32, #tpu.memory_space<vmem>>, vector<16xf32>,
        %swap3A_742 = arith.constant 0 : i32
        %swap3A_743 = arith.index_cast %swap3A_742 : i32 to index
        %swap3A_744 = arith.index_cast %add3A_716 : i32 to index
        %swap3A_745 = arith.constant 32 : index
        %swap3A_746 = tpu.vector_load %arg7[%swap3A_743, %swap3A_744, %swap3A_745] {strides = array<i32>} : memref<2x128x64xf32, #tpu.memory_space<vmem>>, vector<16xf32>,
        tpu.vector_store %arg7[%swap3A_743, %swap3A_744, %swap3A_745], %get3A_741 {strides = array<i32>} : memref<2x128x64xf32, #tpu.memory_space<vmem>>, vector<16xf32>,
        %get3A_747 = arith.constant 0 : i32
        %get3A_748 = arith.index_cast %get3A_747 : i32 to index
        %get3A_749 = arith.index_cast %add3A_716 : i32 to index
        %get3A_750 = arith.constant 48 : index
        %get3A_751 = tpu.vector_load %arg6[%get3A_748, %get3A_749, %get3A_750] {strides = array<i32>} : memref<2x128x128xf32, #tpu.memory_space<vmem>>, vector<16xf32>,
        %swap3A_752 = arith.constant 0 : i32
        %swap3A_753 = arith.index_cast %swap3A_752 : i32 to index
        %swap3A_754 = arith.index_cast %add3A_716 : i32 to index
        %swap3A_755 = arith.constant 48 : index
        %swap3A_756 = tpu.vector_load %arg7[%swap3A_753, %swap3A_754, %swap3A_755] {strides = array<i32>} : memref<2x128x64xf32, #tpu.memory_space<vmem>>, vector<16xf32>,
        tpu.vector_store %arg7[%swap3A_753, %swap3A_754, %swap3A_755], %get3A_751 {strides = array<i32>} : memref<2x128x64xf32, #tpu.memory_space<vmem>>, vector<16xf32>,
        %mul3A_757 = arith.constant 16 : i32
        %mul3A_758 = arith.muli %scan3A_142, %mul3A_757 : i32
        %add3A_759 = arith.constant 14 : i32
        %add3A_760 = arith.addi %mul3A_758, %add3A_759 : i32
        %get3A_761 = arith.constant 0 : i32
        %get3A_762 = arith.index_cast %get3A_761 : i32 to index
        %get3A_763 = arith.index_cast %add3A_760 : i32 to index
        %get3A_764 = arith.constant 0 : index
        %get3A_765 = tpu.vector_load %arg6[%get3A_762, %get3A_763, %get3A_764] {strides = array<i32>} : memref<2x128x128xf32, #tpu.memory_space<vmem>>, vector<16xf32>,
        %swap3A_766 = arith.constant 0 : i32
        %swap3A_767 = arith.index_cast %swap3A_766 : i32 to index
        %swap3A_768 = arith.index_cast %add3A_760 : i32 to index
        %swap3A_769 = arith.constant 0 : index
        %swap3A_770 = tpu.vector_load %arg7[%swap3A_767, %swap3A_768, %swap3A_769] {strides = array<i32>} : memref<2x128x64xf32, #tpu.memory_space<vmem>>, vector<16xf32>,
        tpu.vector_store %arg7[%swap3A_767, %swap3A_768, %swap3A_769], %get3A_765 {strides = array<i32>} : memref<2x128x64xf32, #tpu.memory_space<vmem>>, vector<16xf32>,
        %get3A_771 = arith.constant 0 : i32
        %get3A_772 = arith.index_cast %get3A_771 : i32 to index
        %get3A_773 = arith.index_cast %add3A_760 : i32 to index
        %get3A_774 = arith.constant 16 : index
        %get3A_775 = tpu.vector_load %arg6[%get3A_772, %get3A_773, %get3A_774] {strides = array<i32>} : memref<2x128x128xf32, #tpu.memory_space<vmem>>, vector<16xf32>,
        %swap3A_776 = arith.constant 0 : i32
        %swap3A_777 = arith.index_cast %swap3A_776 : i32 to index
        %swap3A_778 = arith.index_cast %add3A_760 : i32 to index
        %swap3A_779 = arith.constant 16 : index
        %swap3A_780 = tpu.vector_load %arg7[%swap3A_777, %swap3A_778, %swap3A_779] {strides = array<i32>} : memref<2x128x64xf32, #tpu.memory_space<vmem>>, vector<16xf32>,
        tpu.vector_store %arg7[%swap3A_777, %swap3A_778, %swap3A_779], %get3A_775 {strides = array<i32>} : memref<2x128x64xf32, #tpu.memory_space<vmem>>, vector<16xf32>,
        %get3A_781 = arith.constant 0 : i32
        %get3A_782 = arith.index_cast %get3A_781 : i32 to index
        %get3A_783 = arith.index_cast %add3A_760 : i32 to index
        %get3A_784 = arith.constant 32 : index
        %get3A_785 = tpu.vector_load %arg6[%get3A_782, %get3A_783, %get3A_784] {strides = array<i32>} : memref<2x128x128xf32, #tpu.memory_space<vmem>>, vector<16xf32>,
        %swap3A_786 = arith.constant 0 : i32
        %swap3A_787 = arith.index_cast %swap3A_786 : i32 to index
        %swap3A_788 = arith.index_cast %add3A_760 : i32 to index
        %swap3A_789 = arith.constant 32 : index
        %swap3A_790 = tpu.vector_load %arg7[%swap3A_787, %swap3A_788, %swap3A_789] {strides = array<i32>} : memref<2x128x64xf32, #tpu.memory_space<vmem>>, vector<16xf32>,
        tpu.vector_store %arg7[%swap3A_787, %swap3A_788, %swap3A_789], %get3A_785 {strides = array<i32>} : memref<2x128x64xf32, #tpu.memory_space<vmem>>, vector<16xf32>,
        %get3A_791 = arith.constant 0 : i32
        %get3A_792 = arith.index_cast %get3A_791 : i32 to index
        %get3A_793 = arith.index_cast %add3A_760 : i32 to index
        %get3A_794 = arith.constant 48 : index
        %get3A_795 = tpu.vector_load %arg6[%get3A_792, %get3A_793, %get3A_794] {strides = array<i32>} : memref<2x128x128xf32, #tpu.memory_space<vmem>>, vector<16xf32>,
        %swap3A_796 = arith.constant 0 : i32
        %swap3A_797 = arith.index_cast %swap3A_796 : i32 to index
        %swap3A_798 = arith.index_cast %add3A_760 : i32 to index
        %swap3A_799 = arith.constant 48 : index
        %swap3A_800 = tpu.vector_load %arg7[%swap3A_797, %swap3A_798, %swap3A_799] {strides = array<i32>} : memref<2x128x64xf32, #tpu.memory_space<vmem>>, vector<16xf32>,
        tpu.vector_store %arg7[%swap3A_797, %swap3A_798, %swap3A_799], %get3A_795 {strides = array<i32>} : memref<2x128x64xf32, #tpu.memory_space<vmem>>, vector<16xf32>,
        %mul3A_801 = arith.constant 16 : i32
        %mul3A_802 = arith.muli %scan3A_142, %mul3A_801 : i32
        %add3A_803 = arith.constant 15 : i32
        %add3A_804 = arith.addi %mul3A_802, %add3A_803 : i32
        %get3A_805 = arith.constant 0 : i32
        %get3A_806 = arith.index_cast %get3A_805 : i32 to index
        %get3A_807 = arith.index_cast %add3A_804 : i32 to index
        %get3A_808 = arith.constant 0 : index
        %get3A_809 = tpu.vector_load %arg6[%get3A_806, %get3A_807, %get3A_808] {strides = array<i32>} : memref<2x128x128xf32, #tpu.memory_space<vmem>>, vector<16xf32>,
        %swap3A_810 = arith.constant 0 : i32
        %swap3A_811 = arith.index_cast %swap3A_810 : i32 to index
        %swap3A_812 = arith.index_cast %add3A_804 : i32 to index
        %swap3A_813 = arith.constant 0 : index
        %swap3A_814 = tpu.vector_load %arg7[%swap3A_811, %swap3A_812, %swap3A_813] {strides = array<i32>} : memref<2x128x64xf32, #tpu.memory_space<vmem>>, vector<16xf32>,
        tpu.vector_store %arg7[%swap3A_811, %swap3A_812, %swap3A_813], %get3A_809 {strides = array<i32>} : memref<2x128x64xf32, #tpu.memory_space<vmem>>, vector<16xf32>,
        %get3A_815 = arith.constant 0 : i32
        %get3A_816 = arith.index_cast %get3A_815 : i32 to index
        %get3A_817 = arith.index_cast %add3A_804 : i32 to index
        %get3A_818 = arith.constant 16 : index
        %get3A_819 = tpu.vector_load %arg6[%get3A_816, %get3A_817, %get3A_818] {strides = array<i32>} : memref<2x128x128xf32, #tpu.memory_space<vmem>>, vector<16xf32>,
        %swap3A_820 = arith.constant 0 : i32
        %swap3A_821 = arith.index_cast %swap3A_820 : i32 to index
        %swap3A_822 = arith.index_cast %add3A_804 : i32 to index
        %swap3A_823 = arith.constant 16 : index
        %swap3A_824 = tpu.vector_load %arg7[%swap3A_821, %swap3A_822, %swap3A_823] {strides = array<i32>} : memref<2x128x64xf32, #tpu.memory_space<vmem>>, vector<16xf32>,
        tpu.vector_store %arg7[%swap3A_821, %swap3A_822, %swap3A_823], %get3A_819 {strides = array<i32>} : memref<2x128x64xf32, #tpu.memory_space<vmem>>, vector<16xf32>,
        %get3A_825 = arith.constant 0 : i32
        %get3A_826 = arith.index_cast %get3A_825 : i32 to index
        %get3A_827 = arith.index_cast %add3A_804 : i32 to index
        %get3A_828 = arith.constant 32 : index
        %get3A_829 = tpu.vector_load %arg6[%get3A_826, %get3A_827, %get3A_828] {strides = array<i32>} : memref<2x128x128xf32, #tpu.memory_space<vmem>>, vector<16xf32>,
        %swap3A_830 = arith.constant 0 : i32
        %swap3A_831 = arith.index_cast %swap3A_830 : i32 to index
        %swap3A_832 = arith.index_cast %add3A_804 : i32 to index
        %swap3A_833 = arith.constant 32 : index
        %swap3A_834 = tpu.vector_load %arg7[%swap3A_831, %swap3A_832, %swap3A_833] {strides = array<i32>} : memref<2x128x64xf32, #tpu.memory_space<vmem>>, vector<16xf32>,
        tpu.vector_store %arg7[%swap3A_831, %swap3A_832, %swap3A_833], %get3A_829 {strides = array<i32>} : memref<2x128x64xf32, #tpu.memory_space<vmem>>, vector<16xf32>,
        %get3A_835 = arith.constant 0 : i32
        %get3A_836 = arith.index_cast %get3A_835 : i32 to index
        %get3A_837 = arith.index_cast %add3A_804 : i32 to index
        %get3A_838 = arith.constant 48 : index
        %get3A_839 = tpu.vector_load %arg6[%get3A_836, %get3A_837, %get3A_838] {strides = array<i32>} : memref<2x128x128xf32, #tpu.memory_space<vmem>>, vector<16xf32>,
        %swap3A_840 = arith.constant 0 : i32
        %swap3A_841 = arith.index_cast %swap3A_840 : i32 to index
        %swap3A_842 = arith.index_cast %add3A_804 : i32 to index
        %swap3A_843 = arith.constant 48 : index
        %swap3A_844 = tpu.vector_load %arg7[%swap3A_841, %swap3A_842, %swap3A_843] {strides = array<i32>} : memref<2x128x64xf32, #tpu.memory_space<vmem>>, vector<16xf32>,
        tpu.vector_store %arg7[%swap3A_841, %swap3A_842, %swap3A_843], %get3A_839 {strides = array<i32>} : memref<2x128x64xf32, #tpu.memory_space<vmem>>, vector<16xf32>,
      }
      %scan3A_77 = arith.constant 8 : i32
      %mul3A_78 = arith.constant 128 : i32
      %mul3A_79 = arith.muli %add3A_71, %mul3A_78 : i32
      %add3A_80 = arith.addi %mul3A_2, %mul3A_79 : i32
      %dma_start3A_81 = arith.constant 0 : i32
      %dma_start3A_82 = arith.constant 0 : i32
      %dma_start3A_83 = arith.constant 0 : i32
      %dma_start3A_84 = tpu.memref_slice %arg7[%dma_start3A_81, %dma_start3A_82, %dma_start3A_83] : memref<2x128x64xf32, #tpu.memory_space<vmem>> -> memref<1x128x64xf32, #tpu.memory_space<vmem>>
      %dma_start3A_85 = tpu.memref_squeeze %dma_start3A_84 : memref<1x128x64xf32, #tpu.memory_space<vmem>> -> memref<128x64xf32, #tpu.memory_space<vmem>>
      %dma_start3A_86 = arith.constant 0 : i32
      %dma_start3A_87 = tpu.memref_slice %arg4[%add3A_80, %dma_start3A_86] : memref<425984x64xf32, #tpu.memory_space<hbm>> -> memref<128x64xf32, #tpu.memory_space<hbm>>
      %dma_start3A_88 = arith.constant 0 : i32
      %dma_start3A_89 = tpu.memref_slice %arg4[%add3A_80, %dma_start3A_88] : memref<425984x64xf32, #tpu.memory_space<hbm>> -> memref<128x64xf32, #tpu.memory_space<hbm>>
      %dma_start3A_90 = arith.constant 0 : i32
      %dma_start3A_91 = arith.constant 0 : i32
      %dma_start3A_92 = tpu.memref_slice %arg7[%dma_start3A_81, %dma_start3A_90, %dma_start3A_91] : memref<2x128x64xf32, #tpu.memory_space<vmem>> -> memref<1x128x64xf32, #tpu.memory_space<vmem>>
      %dma_start3A_93 = tpu.memref_squeeze %dma_start3A_92 : memref<1x128x64xf32, #tpu.memory_space<vmem>> -> memref<128x64xf32, #tpu.memory_space<vmem>>
      tpu.enqueue_dma source(%dma_start3A_93 : memref<128x64xf32, #tpu.memory_space<vmem>>) target(%dma_start3A_89 : memref<128x64xf32, #tpu.memory_space<hbm>>) target_semaphore(%arg10 : memref<!tpu.dma_semaphore, #tpu.memory_space<semaphore_mem>>)
      %add3A_94 = arith.constant 1 : i32
      %add3A_95 = arith.addi %mul3A_48, %add3A_94 : i32
      %add3A_96 = arith.constant 1 : i32
      %add3A_97 = arith.addi %add3A_95, %add3A_96 : i32
      %lt3A_98 = arith.constant 104 : i32
      %lt3A_99 = arith.cmpi slt, %add3A_97, %lt3A_98 : i32
      %convert_element_type3A_100 = arith.extui %lt3A_99 : i1 to i32
      %cond3A_101 = arith.constant 0 : i32
      %cond3A_102 = arith.cmpi ne, %convert_element_type3A_100, %cond3A_101 : i32
      scf.if %cond3A_102 {
        %add3A_142 = arith.constant 1 : i32
        %add3A_143 = arith.addi %mul3A_48, %add3A_142 : i32
        %ge3A = arith.constant 1 : i32
        %ge3A_144 = arith.cmpi sge, %add3A_143, %ge3A : i32
        %convert_element_type3A_145 = arith.extui %ge3A_144 : i1 to i32
        %cond3A_146 = arith.constant 0 : i32
        %cond3A_147 = arith.cmpi ne, %convert_element_type3A_145, %cond3A_146 : i32
        scf.if %cond3A_147 {
          %dma_wait3A_163 = arith.constant 0 : i32
          %dma_wait3A_164 = arith.constant 0 : i32
          %dma_wait3A_165 = arith.constant 0 : i32
          %dma_wait3A_166 = tpu.memref_slice %arg7[%dma_wait3A_163, %dma_wait3A_164, %dma_wait3A_165] : memref<2x128x64xf32, #tpu.memory_space<vmem>> -> memref<1x128x64xf32, #tpu.memory_space<vmem>>
          %dma_wait3A_167 = tpu.memref_squeeze %dma_wait3A_166 : memref<1x128x64xf32, #tpu.memory_space<vmem>> -> memref<128x64xf32, #tpu.memory_space<vmem>>
          %dma_wait3A_168 = arith.constant 0 : i32
          %dma_wait3A_169 = arith.constant 0 : i32
          %dma_wait3A_170 = tpu.memref_slice %arg4[%dma_wait3A_168, %dma_wait3A_169] : memref<425984x64xf32, #tpu.memory_space<hbm>> -> memref<128x64xf32, #tpu.memory_space<hbm>>
          %dma_wait3A_171 = arith.constant 0 : i32
          %dma_wait3A_172 = arith.constant 0 : i32
          %dma_wait3A_173 = tpu.memref_slice %arg4[%dma_wait3A_171, %dma_wait3A_172] : memref<425984x64xf32, #tpu.memory_space<hbm>> -> memref<128x64xf32, #tpu.memory_space<hbm>>
          %dma_wait3A_174 = arith.constant 0 : i32
          %dma_wait3A_175 = arith.constant 0 : i32
          %dma_wait3A_176 = tpu.memref_slice %arg7[%dma_wait3A_163, %dma_wait3A_174, %dma_wait3A_175] : memref<2x128x64xf32, #tpu.memory_space<vmem>> -> memref<1x128x64xf32, #tpu.memory_space<vmem>>
          %dma_wait3A_177 = tpu.memref_squeeze %dma_wait3A_176 : memref<1x128x64xf32, #tpu.memory_space<vmem>> -> memref<128x64xf32, #tpu.memory_space<vmem>>
          tpu.wait_dma2 semaphore(%arg10 : memref<!tpu.dma_semaphore, #tpu.memory_space<semaphore_mem>>) src(%dma_wait3A_177 : memref<128x64xf32, #tpu.memory_space<vmem>>) dst(%dma_wait3A_173 : memref<128x64xf32, #tpu.memory_space<hbm>>)
        } else {
        }
        %add3A_148 = arith.constant 1 : i32
        %add3A_149 = arith.addi %mul3A_48, %add3A_148 : i32
        %add3A_150 = arith.constant 1 : i32
        %add3A_151 = arith.addi %add3A_149, %add3A_150 : i32
        %mul3A_152 = arith.constant 128 : i32
        %mul3A_153 = arith.muli %add3A_151, %mul3A_152 : i32
        %dma_start3A_154 = arith.constant 0 : i32
        %dma_start3A_155 = arith.constant 0 : i32
        %dma_start3A_156 = arith.constant 0 : i32
        %dma_start3A_157 = tpu.memref_slice %arg6[%dma_start3A_154, %dma_start3A_155, %dma_start3A_156] : memref<2x128x128xf32, #tpu.memory_space<vmem>> -> memref<1x128x128xf32, #tpu.memory_space<vmem>>
        %dma_start3A_158 = tpu.memref_squeeze %dma_start3A_157 : memref<1x128x128xf32, #tpu.memory_space<vmem>> -> memref<128x128xf32, #tpu.memory_space<vmem>>
        %dma_start3A_159 = tpu.memref_slice %arg5[%mul3A_153] : memref<13312xi32, #tpu.memory_space<vmem>> -> memref<128xi32, #tpu.memory_space<vmem>>
        %dma_start3A_160 = arith.constant 0 : i32
        %dma_start3A_161 = arith.constant 0 : i32
        %dma_start3A_162 = tpu.memref_slice %arg2[%dma_start3A_160, %dma_start3A_161] : memref<1007616x128xf32, #tpu.memory_space<hbm>> -> memref<1007616x128xf32, #tpu.memory_space<hbm>>
        tpu.enqueue_indirect_dma source(%dma_start3A_162 : memref<1007616x128xf32, #tpu.memory_space<hbm>>) target(%dma_start3A_158 : memref<128x128xf32, #tpu.memory_space<vmem>>) offsets(%dma_start3A_159 : memref<128xi32, #tpu.memory_space<vmem>>) semaphore(%arg8 : memref<!tpu.dma_semaphore, #tpu.memory_space<semaphore_mem>>)
      } else {
      }
      %dma_wait3A_103 = arith.constant 1 : i32
      %dma_wait3A_104 = arith.constant 0 : i32
      %dma_wait3A_105 = arith.constant 0 : i32
      %dma_wait3A_106 = tpu.memref_slice %arg6[%dma_wait3A_103, %dma_wait3A_104, %dma_wait3A_105] : memref<2x128x128xf32, #tpu.memory_space<vmem>> -> memref<1x128x128xf32, #tpu.memory_space<vmem>>
      %dma_wait3A_107 = tpu.memref_squeeze %dma_wait3A_106 : memref<1x128x128xf32, #tpu.memory_space<vmem>> -> memref<128x128xf32, #tpu.memory_space<vmem>>
      %dma_wait3A_108 = arith.constant 0 : i32
      %dma_wait3A_109 = arith.constant 0 : i32
      %dma_wait3A_110 = tpu.memref_slice %arg2[%dma_wait3A_108, %dma_wait3A_109] : memref<1007616x128xf32, #tpu.memory_space<hbm>> -> memref<128x128xf32, #tpu.memory_space<hbm>>
      %dma_wait3A_111 = arith.constant 0 : i32
      %dma_wait3A_112 = arith.constant 0 : i32
      %dma_wait3A_113 = tpu.memref_slice %arg6[%dma_wait3A_103, %dma_wait3A_111, %dma_wait3A_112] : memref<2x128x128xf32, #tpu.memory_space<vmem>> -> memref<1x128x128xf32, #tpu.memory_space<vmem>>
      %dma_wait3A_114 = tpu.memref_squeeze %dma_wait3A_113 : memref<1x128x128xf32, #tpu.memory_space<vmem>> -> memref<128x128xf32, #tpu.memory_space<vmem>>
      %dma_wait3A_115 = arith.constant 0 : i32
      %dma_wait3A_116 = arith.constant 0 : i32
      %dma_wait3A_117 = tpu.memref_slice %arg2[%dma_wait3A_115, %dma_wait3A_116] : memref<1007616x128xf32, #tpu.memory_space<hbm>> -> memref<128x128xf32, #tpu.memory_space<hbm>>
      tpu.wait_dma2 semaphore(%arg9 : memref<!tpu.dma_semaphore, #tpu.memory_space<semaphore_mem>>) src(%dma_wait3A_117 : memref<128x128xf32, #tpu.memory_space<hbm>>) dst(%dma_wait3A_114 : memref<128x128xf32, #tpu.memory_space<vmem>>)
      %add3A_118 = arith.constant 1 : i32
      %add3A_119 = arith.addi %mul3A_48, %add3A_118 : i32
      %scan3A_120 = arith.constant 0 : i32
      %scan3A_121 = arith.constant 0 : i32
      %scan3A_122 = arith.constant 8 : i32
      %scan3A_123 = arith.addi %scan3A_121, %scan3A_122 : i32
      %scan3A_124 = arith.constant 1 : i32
      scf.for %scan3A_142 = %scan3A_121 to %scan3A_123 step %scan3A_124  : i32 {
        %mul3A_143 = arith.constant 16 : i32
        %mul3A_144 = arith.muli %scan3A_142, %mul3A_143 : i32
        %add3A_145 = arith.constant 0 : i32
        %add3A_146 = arith.addi %mul3A_144, %add3A_145 : i32
        %get3A = arith.constant 1 : i32
        %get3A_147 = arith.index_cast %get3A : i32 to index
        %get3A_148 = arith.index_cast %add3A_146 : i32 to index
        %get3A_149 = arith.constant 0 : index
        %get3A_150 = tpu.vector_load %arg6[%get3A_147, %get3A_148, %get3A_149] {strides = array<i32>} : memref<2x128x128xf32, #tpu.memory_space<vmem>>, vector<16xf32>,
        %swap3A = arith.constant 1 : i32
        %swap3A_151 = arith.index_cast %swap3A : i32 to index
        %swap3A_152 = arith.index_cast %add3A_146 : i32 to index
        %swap3A_153 = arith.constant 0 : index
        %swap3A_154 = tpu.vector_load %arg7[%swap3A_151, %swap3A_152, %swap3A_153] {strides = array<i32>} : memref<2x128x64xf32, #tpu.memory_space<vmem>>, vector<16xf32>,
        tpu.vector_store %arg7[%swap3A_151, %swap3A_152, %swap3A_153], %get3A_150 {strides = array<i32>} : memref<2x128x64xf32, #tpu.memory_space<vmem>>, vector<16xf32>,
        %get3A_155 = arith.constant 1 : i32
        %get3A_156 = arith.index_cast %get3A_155 : i32 to index
        %get3A_157 = arith.index_cast %add3A_146 : i32 to index
        %get3A_158 = arith.constant 16 : index
        %get3A_159 = tpu.vector_load %arg6[%get3A_156, %get3A_157, %get3A_158] {strides = array<i32>} : memref<2x128x128xf32, #tpu.memory_space<vmem>>, vector<16xf32>,
        %swap3A_160 = arith.constant 1 : i32
        %swap3A_161 = arith.index_cast %swap3A_160 : i32 to index
        %swap3A_162 = arith.index_cast %add3A_146 : i32 to index
        %swap3A_163 = arith.constant 16 : index
        %swap3A_164 = tpu.vector_load %arg7[%swap3A_161, %swap3A_162, %swap3A_163] {strides = array<i32>} : memref<2x128x64xf32, #tpu.memory_space<vmem>>, vector<16xf32>,
        tpu.vector_store %arg7[%swap3A_161, %swap3A_162, %swap3A_163], %get3A_159 {strides = array<i32>} : memref<2x128x64xf32, #tpu.memory_space<vmem>>, vector<16xf32>,
        %get3A_165 = arith.constant 1 : i32
        %get3A_166 = arith.index_cast %get3A_165 : i32 to index
        %get3A_167 = arith.index_cast %add3A_146 : i32 to index
        %get3A_168 = arith.constant 32 : index
        %get3A_169 = tpu.vector_load %arg6[%get3A_166, %get3A_167, %get3A_168] {strides = array<i32>} : memref<2x128x128xf32, #tpu.memory_space<vmem>>, vector<16xf32>,
        %swap3A_170 = arith.constant 1 : i32
        %swap3A_171 = arith.index_cast %swap3A_170 : i32 to index
        %swap3A_172 = arith.index_cast %add3A_146 : i32 to index
        %swap3A_173 = arith.constant 32 : index
        %swap3A_174 = tpu.vector_load %arg7[%swap3A_171, %swap3A_172, %swap3A_173] {strides = array<i32>} : memref<2x128x64xf32, #tpu.memory_space<vmem>>, vector<16xf32>,
        tpu.vector_store %arg7[%swap3A_171, %swap3A_172, %swap3A_173], %get3A_169 {strides = array<i32>} : memref<2x128x64xf32, #tpu.memory_space<vmem>>, vector<16xf32>,
        %get3A_175 = arith.constant 1 : i32
        %get3A_176 = arith.index_cast %get3A_175 : i32 to index
        %get3A_177 = arith.index_cast %add3A_146 : i32 to index
        %get3A_178 = arith.constant 48 : index
        %get3A_179 = tpu.vector_load %arg6[%get3A_176, %get3A_177, %get3A_178] {strides = array<i32>} : memref<2x128x128xf32, #tpu.memory_space<vmem>>, vector<16xf32>,
        %swap3A_180 = arith.constant 1 : i32
        %swap3A_181 = arith.index_cast %swap3A_180 : i32 to index
        %swap3A_182 = arith.index_cast %add3A_146 : i32 to index
        %swap3A_183 = arith.constant 48 : index
        %swap3A_184 = tpu.vector_load %arg7[%swap3A_181, %swap3A_182, %swap3A_183] {strides = array<i32>} : memref<2x128x64xf32, #tpu.memory_space<vmem>>, vector<16xf32>,
        tpu.vector_store %arg7[%swap3A_181, %swap3A_182, %swap3A_183], %get3A_179 {strides = array<i32>} : memref<2x128x64xf32, #tpu.memory_space<vmem>>, vector<16xf32>,
        %mul3A_185 = arith.constant 16 : i32
        %mul3A_186 = arith.muli %scan3A_142, %mul3A_185 : i32
        %add3A_187 = arith.constant 1 : i32
        %add3A_188 = arith.addi %mul3A_186, %add3A_187 : i32
        %get3A_189 = arith.constant 1 : i32
        %get3A_190 = arith.index_cast %get3A_189 : i32 to index
        %get3A_191 = arith.index_cast %add3A_188 : i32 to index
        %get3A_192 = arith.constant 0 : index
        %get3A_193 = tpu.vector_load %arg6[%get3A_190, %get3A_191, %get3A_192] {strides = array<i32>} : memref<2x128x128xf32, #tpu.memory_space<vmem>>, vector<16xf32>,
        %swap3A_194 = arith.constant 1 : i32
        %swap3A_195 = arith.index_cast %swap3A_194 : i32 to index
        %swap3A_196 = arith.index_cast %add3A_188 : i32 to index
        %swap3A_197 = arith.constant 0 : index
        %swap3A_198 = tpu.vector_load %arg7[%swap3A_195, %swap3A_196, %swap3A_197] {strides = array<i32>} : memref<2x128x64xf32, #tpu.memory_space<vmem>>, vector<16xf32>,
        tpu.vector_store %arg7[%swap3A_195, %swap3A_196, %swap3A_197], %get3A_193 {strides = array<i32>} : memref<2x128x64xf32, #tpu.memory_space<vmem>>, vector<16xf32>,
        %get3A_199 = arith.constant 1 : i32
        %get3A_200 = arith.index_cast %get3A_199 : i32 to index
        %get3A_201 = arith.index_cast %add3A_188 : i32 to index
        %get3A_202 = arith.constant 16 : index
        %get3A_203 = tpu.vector_load %arg6[%get3A_200, %get3A_201, %get3A_202] {strides = array<i32>} : memref<2x128x128xf32, #tpu.memory_space<vmem>>, vector<16xf32>,
        %swap3A_204 = arith.constant 1 : i32
        %swap3A_205 = arith.index_cast %swap3A_204 : i32 to index
        %swap3A_206 = arith.index_cast %add3A_188 : i32 to index
        %swap3A_207 = arith.constant 16 : index
        %swap3A_208 = tpu.vector_load %arg7[%swap3A_205, %swap3A_206, %swap3A_207] {strides = array<i32>} : memref<2x128x64xf32, #tpu.memory_space<vmem>>, vector<16xf32>,
        tpu.vector_store %arg7[%swap3A_205, %swap3A_206, %swap3A_207], %get3A_203 {strides = array<i32>} : memref<2x128x64xf32, #tpu.memory_space<vmem>>, vector<16xf32>,
        %get3A_209 = arith.constant 1 : i32
        %get3A_210 = arith.index_cast %get3A_209 : i32 to index
        %get3A_211 = arith.index_cast %add3A_188 : i32 to index
        %get3A_212 = arith.constant 32 : index
        %get3A_213 = tpu.vector_load %arg6[%get3A_210, %get3A_211, %get3A_212] {strides = array<i32>} : memref<2x128x128xf32, #tpu.memory_space<vmem>>, vector<16xf32>,
        %swap3A_214 = arith.constant 1 : i32
        %swap3A_215 = arith.index_cast %swap3A_214 : i32 to index
        %swap3A_216 = arith.index_cast %add3A_188 : i32 to index
        %swap3A_217 = arith.constant 32 : index
        %swap3A_218 = tpu.vector_load %arg7[%swap3A_215, %swap3A_216, %swap3A_217] {strides = array<i32>} : memref<2x128x64xf32, #tpu.memory_space<vmem>>, vector<16xf32>,
        tpu.vector_store %arg7[%swap3A_215, %swap3A_216, %swap3A_217], %get3A_213 {strides = array<i32>} : memref<2x128x64xf32, #tpu.memory_space<vmem>>, vector<16xf32>,
        %get3A_219 = arith.constant 1 : i32
        %get3A_220 = arith.index_cast %get3A_219 : i32 to index
        %get3A_221 = arith.index_cast %add3A_188 : i32 to index
        %get3A_222 = arith.constant 48 : index
        %get3A_223 = tpu.vector_load %arg6[%get3A_220, %get3A_221, %get3A_222] {strides = array<i32>} : memref<2x128x128xf32, #tpu.memory_space<vmem>>, vector<16xf32>,
        %swap3A_224 = arith.constant 1 : i32
        %swap3A_225 = arith.index_cast %swap3A_224 : i32 to index
        %swap3A_226 = arith.index_cast %add3A_188 : i32 to index
        %swap3A_227 = arith.constant 48 : index
        %swap3A_228 = tpu.vector_load %arg7[%swap3A_225, %swap3A_226, %swap3A_227] {strides = array<i32>} : memref<2x128x64xf32, #tpu.memory_space<vmem>>, vector<16xf32>,
        tpu.vector_store %arg7[%swap3A_225, %swap3A_226, %swap3A_227], %get3A_223 {strides = array<i32>} : memref<2x128x64xf32, #tpu.memory_space<vmem>>, vector<16xf32>,
        %mul3A_229 = arith.constant 16 : i32
        %mul3A_230 = arith.muli %scan3A_142, %mul3A_229 : i32
        %add3A_231 = arith.constant 2 : i32
        %add3A_232 = arith.addi %mul3A_230, %add3A_231 : i32
        %get3A_233 = arith.constant 1 : i32
        %get3A_234 = arith.index_cast %get3A_233 : i32 to index
        %get3A_235 = arith.index_cast %add3A_232 : i32 to index
        %get3A_236 = arith.constant 0 : index
        %get3A_237 = tpu.vector_load %arg6[%get3A_234, %get3A_235, %get3A_236] {strides = array<i32>} : memref<2x128x128xf32, #tpu.memory_space<vmem>>, vector<16xf32>,
        %swap3A_238 = arith.constant 1 : i32
        %swap3A_239 = arith.index_cast %swap3A_238 : i32 to index
        %swap3A_240 = arith.index_cast %add3A_232 : i32 to index
        %swap3A_241 = arith.constant 0 : index
        %swap3A_242 = tpu.vector_load %arg7[%swap3A_239, %swap3A_240, %swap3A_241] {strides = array<i32>} : memref<2x128x64xf32, #tpu.memory_space<vmem>>, vector<16xf32>,
        tpu.vector_store %arg7[%swap3A_239, %swap3A_240, %swap3A_241], %get3A_237 {strides = array<i32>} : memref<2x128x64xf32, #tpu.memory_space<vmem>>, vector<16xf32>,
        %get3A_243 = arith.constant 1 : i32
        %get3A_244 = arith.index_cast %get3A_243 : i32 to index
        %get3A_245 = arith.index_cast %add3A_232 : i32 to index
        %get3A_246 = arith.constant 16 : index
        %get3A_247 = tpu.vector_load %arg6[%get3A_244, %get3A_245, %get3A_246] {strides = array<i32>} : memref<2x128x128xf32, #tpu.memory_space<vmem>>, vector<16xf32>,
        %swap3A_248 = arith.constant 1 : i32
        %swap3A_249 = arith.index_cast %swap3A_248 : i32 to index
        %swap3A_250 = arith.index_cast %add3A_232 : i32 to index
        %swap3A_251 = arith.constant 16 : index
        %swap3A_252 = tpu.vector_load %arg7[%swap3A_249, %swap3A_250, %swap3A_251] {strides = array<i32>} : memref<2x128x64xf32, #tpu.memory_space<vmem>>, vector<16xf32>,
        tpu.vector_store %arg7[%swap3A_249, %swap3A_250, %swap3A_251], %get3A_247 {strides = array<i32>} : memref<2x128x64xf32, #tpu.memory_space<vmem>>, vector<16xf32>,
        %get3A_253 = arith.constant 1 : i32
        %get3A_254 = arith.index_cast %get3A_253 : i32 to index
        %get3A_255 = arith.index_cast %add3A_232 : i32 to index
        %get3A_256 = arith.constant 32 : index
        %get3A_257 = tpu.vector_load %arg6[%get3A_254, %get3A_255, %get3A_256] {strides = array<i32>} : memref<2x128x128xf32, #tpu.memory_space<vmem>>, vector<16xf32>,
        %swap3A_258 = arith.constant 1 : i32
        %swap3A_259 = arith.index_cast %swap3A_258 : i32 to index
        %swap3A_260 = arith.index_cast %add3A_232 : i32 to index
        %swap3A_261 = arith.constant 32 : index
        %swap3A_262 = tpu.vector_load %arg7[%swap3A_259, %swap3A_260, %swap3A_261] {strides = array<i32>} : memref<2x128x64xf32, #tpu.memory_space<vmem>>, vector<16xf32>,
        tpu.vector_store %arg7[%swap3A_259, %swap3A_260, %swap3A_261], %get3A_257 {strides = array<i32>} : memref<2x128x64xf32, #tpu.memory_space<vmem>>, vector<16xf32>,
        %get3A_263 = arith.constant 1 : i32
        %get3A_264 = arith.index_cast %get3A_263 : i32 to index
        %get3A_265 = arith.index_cast %add3A_232 : i32 to index
        %get3A_266 = arith.constant 48 : index
        %get3A_267 = tpu.vector_load %arg6[%get3A_264, %get3A_265, %get3A_266] {strides = array<i32>} : memref<2x128x128xf32, #tpu.memory_space<vmem>>, vector<16xf32>,
        %swap3A_268 = arith.constant 1 : i32
        %swap3A_269 = arith.index_cast %swap3A_268 : i32 to index
        %swap3A_270 = arith.index_cast %add3A_232 : i32 to index
        %swap3A_271 = arith.constant 48 : index
        %swap3A_272 = tpu.vector_load %arg7[%swap3A_269, %swap3A_270, %swap3A_271] {strides = array<i32>} : memref<2x128x64xf32, #tpu.memory_space<vmem>>, vector<16xf32>,
        tpu.vector_store %arg7[%swap3A_269, %swap3A_270, %swap3A_271], %get3A_267 {strides = array<i32>} : memref<2x128x64xf32, #tpu.memory_space<vmem>>, vector<16xf32>,
        %mul3A_273 = arith.constant 16 : i32
        %mul3A_274 = arith.muli %scan3A_142, %mul3A_273 : i32
        %add3A_275 = arith.constant 3 : i32
        %add3A_276 = arith.addi %mul3A_274, %add3A_275 : i32
        %get3A_277 = arith.constant 1 : i32
        %get3A_278 = arith.index_cast %get3A_277 : i32 to index
        %get3A_279 = arith.index_cast %add3A_276 : i32 to index
        %get3A_280 = arith.constant 0 : index
        %get3A_281 = tpu.vector_load %arg6[%get3A_278, %get3A_279, %get3A_280] {strides = array<i32>} : memref<2x128x128xf32, #tpu.memory_space<vmem>>, vector<16xf32>,
        %swap3A_282 = arith.constant 1 : i32
        %swap3A_283 = arith.index_cast %swap3A_282 : i32 to index
        %swap3A_284 = arith.index_cast %add3A_276 : i32 to index
        %swap3A_285 = arith.constant 0 : index
        %swap3A_286 = tpu.vector_load %arg7[%swap3A_283, %swap3A_284, %swap3A_285] {strides = array<i32>} : memref<2x128x64xf32, #tpu.memory_space<vmem>>, vector<16xf32>,
        tpu.vector_store %arg7[%swap3A_283, %swap3A_284, %swap3A_285], %get3A_281 {strides = array<i32>} : memref<2x128x64xf32, #tpu.memory_space<vmem>>, vector<16xf32>,
        %get3A_287 = arith.constant 1 : i32
        %get3A_288 = arith.index_cast %get3A_287 : i32 to index
        %get3A_289 = arith.index_cast %add3A_276 : i32 to index
        %get3A_290 = arith.constant 16 : index
        %get3A_291 = tpu.vector_load %arg6[%get3A_288, %get3A_289, %get3A_290] {strides = array<i32>} : memref<2x128x128xf32, #tpu.memory_space<vmem>>, vector<16xf32>,
        %swap3A_292 = arith.constant 1 : i32
        %swap3A_293 = arith.index_cast %swap3A_292 : i32 to index
        %swap3A_294 = arith.index_cast %add3A_276 : i32 to index
        %swap3A_295 = arith.constant 16 : index
        %swap3A_296 = tpu.vector_load %arg7[%swap3A_293, %swap3A_294, %swap3A_295] {strides = array<i32>} : memref<2x128x64xf32, #tpu.memory_space<vmem>>, vector<16xf32>,
        tpu.vector_store %arg7[%swap3A_293, %swap3A_294, %swap3A_295], %get3A_291 {strides = array<i32>} : memref<2x128x64xf32, #tpu.memory_space<vmem>>, vector<16xf32>,
        %get3A_297 = arith.constant 1 : i32
        %get3A_298 = arith.index_cast %get3A_297 : i32 to index
        %get3A_299 = arith.index_cast %add3A_276 : i32 to index
        %get3A_300 = arith.constant 32 : index
        %get3A_301 = tpu.vector_load %arg6[%get3A_298, %get3A_299, %get3A_300] {strides = array<i32>} : memref<2x128x128xf32, #tpu.memory_space<vmem>>, vector<16xf32>,
        %swap3A_302 = arith.constant 1 : i32
        %swap3A_303 = arith.index_cast %swap3A_302 : i32 to index
        %swap3A_304 = arith.index_cast %add3A_276 : i32 to index
        %swap3A_305 = arith.constant 32 : index
        %swap3A_306 = tpu.vector_load %arg7[%swap3A_303, %swap3A_304, %swap3A_305] {strides = array<i32>} : memref<2x128x64xf32, #tpu.memory_space<vmem>>, vector<16xf32>,
        tpu.vector_store %arg7[%swap3A_303, %swap3A_304, %swap3A_305], %get3A_301 {strides = array<i32>} : memref<2x128x64xf32, #tpu.memory_space<vmem>>, vector<16xf32>,
        %get3A_307 = arith.constant 1 : i32
        %get3A_308 = arith.index_cast %get3A_307 : i32 to index
        %get3A_309 = arith.index_cast %add3A_276 : i32 to index
        %get3A_310 = arith.constant 48 : index
        %get3A_311 = tpu.vector_load %arg6[%get3A_308, %get3A_309, %get3A_310] {strides = array<i32>} : memref<2x128x128xf32, #tpu.memory_space<vmem>>, vector<16xf32>,
        %swap3A_312 = arith.constant 1 : i32
        %swap3A_313 = arith.index_cast %swap3A_312 : i32 to index
        %swap3A_314 = arith.index_cast %add3A_276 : i32 to index
        %swap3A_315 = arith.constant 48 : index
        %swap3A_316 = tpu.vector_load %arg7[%swap3A_313, %swap3A_314, %swap3A_315] {strides = array<i32>} : memref<2x128x64xf32, #tpu.memory_space<vmem>>, vector<16xf32>,
        tpu.vector_store %arg7[%swap3A_313, %swap3A_314, %swap3A_315], %get3A_311 {strides = array<i32>} : memref<2x128x64xf32, #tpu.memory_space<vmem>>, vector<16xf32>,
        %mul3A_317 = arith.constant 16 : i32
        %mul3A_318 = arith.muli %scan3A_142, %mul3A_317 : i32
        %add3A_319 = arith.constant 4 : i32
        %add3A_320 = arith.addi %mul3A_318, %add3A_319 : i32
        %get3A_321 = arith.constant 1 : i32
        %get3A_322 = arith.index_cast %get3A_321 : i32 to index
        %get3A_323 = arith.index_cast %add3A_320 : i32 to index
        %get3A_324 = arith.constant 0 : index
        %get3A_325 = tpu.vector_load %arg6[%get3A_322, %get3A_323, %get3A_324] {strides = array<i32>} : memref<2x128x128xf32, #tpu.memory_space<vmem>>, vector<16xf32>,
        %swap3A_326 = arith.constant 1 : i32
        %swap3A_327 = arith.index_cast %swap3A_326 : i32 to index
        %swap3A_328 = arith.index_cast %add3A_320 : i32 to index
        %swap3A_329 = arith.constant 0 : index
        %swap3A_330 = tpu.vector_load %arg7[%swap3A_327, %swap3A_328, %swap3A_329] {strides = array<i32>} : memref<2x128x64xf32, #tpu.memory_space<vmem>>, vector<16xf32>,
        tpu.vector_store %arg7[%swap3A_327, %swap3A_328, %swap3A_329], %get3A_325 {strides = array<i32>} : memref<2x128x64xf32, #tpu.memory_space<vmem>>, vector<16xf32>,
        %get3A_331 = arith.constant 1 : i32
        %get3A_332 = arith.index_cast %get3A_331 : i32 to index
        %get3A_333 = arith.index_cast %add3A_320 : i32 to index
        %get3A_334 = arith.constant 16 : index
        %get3A_335 = tpu.vector_load %arg6[%get3A_332, %get3A_333, %get3A_334] {strides = array<i32>} : memref<2x128x128xf32, #tpu.memory_space<vmem>>, vector<16xf32>,
        %swap3A_336 = arith.constant 1 : i32
        %swap3A_337 = arith.index_cast %swap3A_336 : i32 to index
        %swap3A_338 = arith.index_cast %add3A_320 : i32 to index
        %swap3A_339 = arith.constant 16 : index
        %swap3A_340 = tpu.vector_load %arg7[%swap3A_337, %swap3A_338, %swap3A_339] {strides = array<i32>} : memref<2x128x64xf32, #tpu.memory_space<vmem>>, vector<16xf32>,
        tpu.vector_store %arg7[%swap3A_337, %swap3A_338, %swap3A_339], %get3A_335 {strides = array<i32>} : memref<2x128x64xf32, #tpu.memory_space<vmem>>, vector<16xf32>,
        %get3A_341 = arith.constant 1 : i32
        %get3A_342 = arith.index_cast %get3A_341 : i32 to index
        %get3A_343 = arith.index_cast %add3A_320 : i32 to index
        %get3A_344 = arith.constant 32 : index
        %get3A_345 = tpu.vector_load %arg6[%get3A_342, %get3A_343, %get3A_344] {strides = array<i32>} : memref<2x128x128xf32, #tpu.memory_space<vmem>>, vector<16xf32>,
        %swap3A_346 = arith.constant 1 : i32
        %swap3A_347 = arith.index_cast %swap3A_346 : i32 to index
        %swap3A_348 = arith.index_cast %add3A_320 : i32 to index
        %swap3A_349 = arith.constant 32 : index
        %swap3A_350 = tpu.vector_load %arg7[%swap3A_347, %swap3A_348, %swap3A_349] {strides = array<i32>} : memref<2x128x64xf32, #tpu.memory_space<vmem>>, vector<16xf32>,
        tpu.vector_store %arg7[%swap3A_347, %swap3A_348, %swap3A_349], %get3A_345 {strides = array<i32>} : memref<2x128x64xf32, #tpu.memory_space<vmem>>, vector<16xf32>,
        %get3A_351 = arith.constant 1 : i32
        %get3A_352 = arith.index_cast %get3A_351 : i32 to index
        %get3A_353 = arith.index_cast %add3A_320 : i32 to index
        %get3A_354 = arith.constant 48 : index
        %get3A_355 = tpu.vector_load %arg6[%get3A_352, %get3A_353, %get3A_354] {strides = array<i32>} : memref<2x128x128xf32, #tpu.memory_space<vmem>>, vector<16xf32>,
        %swap3A_356 = arith.constant 1 : i32
        %swap3A_357 = arith.index_cast %swap3A_356 : i32 to index
        %swap3A_358 = arith.index_cast %add3A_320 : i32 to index
        %swap3A_359 = arith.constant 48 : index
        %swap3A_360 = tpu.vector_load %arg7[%swap3A_357, %swap3A_358, %swap3A_359] {strides = array<i32>} : memref<2x128x64xf32, #tpu.memory_space<vmem>>, vector<16xf32>,
        tpu.vector_store %arg7[%swap3A_357, %swap3A_358, %swap3A_359], %get3A_355 {strides = array<i32>} : memref<2x128x64xf32, #tpu.memory_space<vmem>>, vector<16xf32>,
        %mul3A_361 = arith.constant 16 : i32
        %mul3A_362 = arith.muli %scan3A_142, %mul3A_361 : i32
        %add3A_363 = arith.constant 5 : i32
        %add3A_364 = arith.addi %mul3A_362, %add3A_363 : i32
        %get3A_365 = arith.constant 1 : i32
        %get3A_366 = arith.index_cast %get3A_365 : i32 to index
        %get3A_367 = arith.index_cast %add3A_364 : i32 to index
        %get3A_368 = arith.constant 0 : index
        %get3A_369 = tpu.vector_load %arg6[%get3A_366, %get3A_367, %get3A_368] {strides = array<i32>} : memref<2x128x128xf32, #tpu.memory_space<vmem>>, vector<16xf32>,
        %swap3A_370 = arith.constant 1 : i32
        %swap3A_371 = arith.index_cast %swap3A_370 : i32 to index
        %swap3A_372 = arith.index_cast %add3A_364 : i32 to index
        %swap3A_373 = arith.constant 0 : index
        %swap3A_374 = tpu.vector_load %arg7[%swap3A_371, %swap3A_372, %swap3A_373] {strides = array<i32>} : memref<2x128x64xf32, #tpu.memory_space<vmem>>, vector<16xf32>,
        tpu.vector_store %arg7[%swap3A_371, %swap3A_372, %swap3A_373], %get3A_369 {strides = array<i32>} : memref<2x128x64xf32, #tpu.memory_space<vmem>>, vector<16xf32>,
        %get3A_375 = arith.constant 1 : i32
        %get3A_376 = arith.index_cast %get3A_375 : i32 to index
        %get3A_377 = arith.index_cast %add3A_364 : i32 to index
        %get3A_378 = arith.constant 16 : index
        %get3A_379 = tpu.vector_load %arg6[%get3A_376, %get3A_377, %get3A_378] {strides = array<i32>} : memref<2x128x128xf32, #tpu.memory_space<vmem>>, vector<16xf32>,
        %swap3A_380 = arith.constant 1 : i32
        %swap3A_381 = arith.index_cast %swap3A_380 : i32 to index
        %swap3A_382 = arith.index_cast %add3A_364 : i32 to index
        %swap3A_383 = arith.constant 16 : index
        %swap3A_384 = tpu.vector_load %arg7[%swap3A_381, %swap3A_382, %swap3A_383] {strides = array<i32>} : memref<2x128x64xf32, #tpu.memory_space<vmem>>, vector<16xf32>,
        tpu.vector_store %arg7[%swap3A_381, %swap3A_382, %swap3A_383], %get3A_379 {strides = array<i32>} : memref<2x128x64xf32, #tpu.memory_space<vmem>>, vector<16xf32>,
        %get3A_385 = arith.constant 1 : i32
        %get3A_386 = arith.index_cast %get3A_385 : i32 to index
        %get3A_387 = arith.index_cast %add3A_364 : i32 to index
        %get3A_388 = arith.constant 32 : index
        %get3A_389 = tpu.vector_load %arg6[%get3A_386, %get3A_387, %get3A_388] {strides = array<i32>} : memref<2x128x128xf32, #tpu.memory_space<vmem>>, vector<16xf32>,
        %swap3A_390 = arith.constant 1 : i32
        %swap3A_391 = arith.index_cast %swap3A_390 : i32 to index
        %swap3A_392 = arith.index_cast %add3A_364 : i32 to index
        %swap3A_393 = arith.constant 32 : index
        %swap3A_394 = tpu.vector_load %arg7[%swap3A_391, %swap3A_392, %swap3A_393] {strides = array<i32>} : memref<2x128x64xf32, #tpu.memory_space<vmem>>, vector<16xf32>,
        tpu.vector_store %arg7[%swap3A_391, %swap3A_392, %swap3A_393], %get3A_389 {strides = array<i32>} : memref<2x128x64xf32, #tpu.memory_space<vmem>>, vector<16xf32>,
        %get3A_395 = arith.constant 1 : i32
        %get3A_396 = arith.index_cast %get3A_395 : i32 to index
        %get3A_397 = arith.index_cast %add3A_364 : i32 to index
        %get3A_398 = arith.constant 48 : index
        %get3A_399 = tpu.vector_load %arg6[%get3A_396, %get3A_397, %get3A_398] {strides = array<i32>} : memref<2x128x128xf32, #tpu.memory_space<vmem>>, vector<16xf32>,
        %swap3A_400 = arith.constant 1 : i32
        %swap3A_401 = arith.index_cast %swap3A_400 : i32 to index
        %swap3A_402 = arith.index_cast %add3A_364 : i32 to index
        %swap3A_403 = arith.constant 48 : index
        %swap3A_404 = tpu.vector_load %arg7[%swap3A_401, %swap3A_402, %swap3A_403] {strides = array<i32>} : memref<2x128x64xf32, #tpu.memory_space<vmem>>, vector<16xf32>,
        tpu.vector_store %arg7[%swap3A_401, %swap3A_402, %swap3A_403], %get3A_399 {strides = array<i32>} : memref<2x128x64xf32, #tpu.memory_space<vmem>>, vector<16xf32>,
        %mul3A_405 = arith.constant 16 : i32
        %mul3A_406 = arith.muli %scan3A_142, %mul3A_405 : i32
        %add3A_407 = arith.constant 6 : i32
        %add3A_408 = arith.addi %mul3A_406, %add3A_407 : i32
        %get3A_409 = arith.constant 1 : i32
        %get3A_410 = arith.index_cast %get3A_409 : i32 to index
        %get3A_411 = arith.index_cast %add3A_408 : i32 to index
        %get3A_412 = arith.constant 0 : index
        %get3A_413 = tpu.vector_load %arg6[%get3A_410, %get3A_411, %get3A_412] {strides = array<i32>} : memref<2x128x128xf32, #tpu.memory_space<vmem>>, vector<16xf32>,
        %swap3A_414 = arith.constant 1 : i32
        %swap3A_415 = arith.index_cast %swap3A_414 : i32 to index
        %swap3A_416 = arith.index_cast %add3A_408 : i32 to index
        %swap3A_417 = arith.constant 0 : index
        %swap3A_418 = tpu.vector_load %arg7[%swap3A_415, %swap3A_416, %swap3A_417] {strides = array<i32>} : memref<2x128x64xf32, #tpu.memory_space<vmem>>, vector<16xf32>,
        tpu.vector_store %arg7[%swap3A_415, %swap3A_416, %swap3A_417], %get3A_413 {strides = array<i32>} : memref<2x128x64xf32, #tpu.memory_space<vmem>>, vector<16xf32>,
        %get3A_419 = arith.constant 1 : i32
        %get3A_420 = arith.index_cast %get3A_419 : i32 to index
        %get3A_421 = arith.index_cast %add3A_408 : i32 to index
        %get3A_422 = arith.constant 16 : index
        %get3A_423 = tpu.vector_load %arg6[%get3A_420, %get3A_421, %get3A_422] {strides = array<i32>} : memref<2x128x128xf32, #tpu.memory_space<vmem>>, vector<16xf32>,
        %swap3A_424 = arith.constant 1 : i32
        %swap3A_425 = arith.index_cast %swap3A_424 : i32 to index
        %swap3A_426 = arith.index_cast %add3A_408 : i32 to index
        %swap3A_427 = arith.constant 16 : index
        %swap3A_428 = tpu.vector_load %arg7[%swap3A_425, %swap3A_426, %swap3A_427] {strides = array<i32>} : memref<2x128x64xf32, #tpu.memory_space<vmem>>, vector<16xf32>,
        tpu.vector_store %arg7[%swap3A_425, %swap3A_426, %swap3A_427], %get3A_423 {strides = array<i32>} : memref<2x128x64xf32, #tpu.memory_space<vmem>>, vector<16xf32>,
        %get3A_429 = arith.constant 1 : i32
        %get3A_430 = arith.index_cast %get3A_429 : i32 to index
        %get3A_431 = arith.index_cast %add3A_408 : i32 to index
        %get3A_432 = arith.constant 32 : index
        %get3A_433 = tpu.vector_load %arg6[%get3A_430, %get3A_431, %get3A_432] {strides = array<i32>} : memref<2x128x128xf32, #tpu.memory_space<vmem>>, vector<16xf32>,
        %swap3A_434 = arith.constant 1 : i32
        %swap3A_435 = arith.index_cast %swap3A_434 : i32 to index
        %swap3A_436 = arith.index_cast %add3A_408 : i32 to index
        %swap3A_437 = arith.constant 32 : index
        %swap3A_438 = tpu.vector_load %arg7[%swap3A_435, %swap3A_436, %swap3A_437] {strides = array<i32>} : memref<2x128x64xf32, #tpu.memory_space<vmem>>, vector<16xf32>,
        tpu.vector_store %arg7[%swap3A_435, %swap3A_436, %swap3A_437], %get3A_433 {strides = array<i32>} : memref<2x128x64xf32, #tpu.memory_space<vmem>>, vector<16xf32>,
        %get3A_439 = arith.constant 1 : i32
        %get3A_440 = arith.index_cast %get3A_439 : i32 to index
        %get3A_441 = arith.index_cast %add3A_408 : i32 to index
        %get3A_442 = arith.constant 48 : index
        %get3A_443 = tpu.vector_load %arg6[%get3A_440, %get3A_441, %get3A_442] {strides = array<i32>} : memref<2x128x128xf32, #tpu.memory_space<vmem>>, vector<16xf32>,
        %swap3A_444 = arith.constant 1 : i32
        %swap3A_445 = arith.index_cast %swap3A_444 : i32 to index
        %swap3A_446 = arith.index_cast %add3A_408 : i32 to index
        %swap3A_447 = arith.constant 48 : index
        %swap3A_448 = tpu.vector_load %arg7[%swap3A_445, %swap3A_446, %swap3A_447] {strides = array<i32>} : memref<2x128x64xf32, #tpu.memory_space<vmem>>, vector<16xf32>,
        tpu.vector_store %arg7[%swap3A_445, %swap3A_446, %swap3A_447], %get3A_443 {strides = array<i32>} : memref<2x128x64xf32, #tpu.memory_space<vmem>>, vector<16xf32>,
        %mul3A_449 = arith.constant 16 : i32
        %mul3A_450 = arith.muli %scan3A_142, %mul3A_449 : i32
        %add3A_451 = arith.constant 7 : i32
        %add3A_452 = arith.addi %mul3A_450, %add3A_451 : i32
        %get3A_453 = arith.constant 1 : i32
        %get3A_454 = arith.index_cast %get3A_453 : i32 to index
        %get3A_455 = arith.index_cast %add3A_452 : i32 to index
        %get3A_456 = arith.constant 0 : index
        %get3A_457 = tpu.vector_load %arg6[%get3A_454, %get3A_455, %get3A_456] {strides = array<i32>} : memref<2x128x128xf32, #tpu.memory_space<vmem>>, vector<16xf32>,
        %swap3A_458 = arith.constant 1 : i32
        %swap3A_459 = arith.index_cast %swap3A_458 : i32 to index
        %swap3A_460 = arith.index_cast %add3A_452 : i32 to index
        %swap3A_461 = arith.constant 0 : index
        %swap3A_462 = tpu.vector_load %arg7[%swap3A_459, %swap3A_460, %swap3A_461] {strides = array<i32>} : memref<2x128x64xf32, #tpu.memory_space<vmem>>, vector<16xf32>,
        tpu.vector_store %arg7[%swap3A_459, %swap3A_460, %swap3A_461], %get3A_457 {strides = array<i32>} : memref<2x128x64xf32, #tpu.memory_space<vmem>>, vector<16xf32>,
        %get3A_463 = arith.constant 1 : i32
        %get3A_464 = arith.index_cast %get3A_463 : i32 to index
        %get3A_465 = arith.index_cast %add3A_452 : i32 to index
        %get3A_466 = arith.constant 16 : index
        %get3A_467 = tpu.vector_load %arg6[%get3A_464, %get3A_465, %get3A_466] {strides = array<i32>} : memref<2x128x128xf32, #tpu.memory_space<vmem>>, vector<16xf32>,
        %swap3A_468 = arith.constant 1 : i32
        %swap3A_469 = arith.index_cast %swap3A_468 : i32 to index
        %swap3A_470 = arith.index_cast %add3A_452 : i32 to index
        %swap3A_471 = arith.constant 16 : index
        %swap3A_472 = tpu.vector_load %arg7[%swap3A_469, %swap3A_470, %swap3A_471] {strides = array<i32>} : memref<2x128x64xf32, #tpu.memory_space<vmem>>, vector<16xf32>,
        tpu.vector_store %arg7[%swap3A_469, %swap3A_470, %swap3A_471], %get3A_467 {strides = array<i32>} : memref<2x128x64xf32, #tpu.memory_space<vmem>>, vector<16xf32>,
        %get3A_473 = arith.constant 1 : i32
        %get3A_474 = arith.index_cast %get3A_473 : i32 to index
        %get3A_475 = arith.index_cast %add3A_452 : i32 to index
        %get3A_476 = arith.constant 32 : index
        %get3A_477 = tpu.vector_load %arg6[%get3A_474, %get3A_475, %get3A_476] {strides = array<i32>} : memref<2x128x128xf32, #tpu.memory_space<vmem>>, vector<16xf32>,
        %swap3A_478 = arith.constant 1 : i32
        %swap3A_479 = arith.index_cast %swap3A_478 : i32 to index
        %swap3A_480 = arith.index_cast %add3A_452 : i32 to index
        %swap3A_481 = arith.constant 32 : index
        %swap3A_482 = tpu.vector_load %arg7[%swap3A_479, %swap3A_480, %swap3A_481] {strides = array<i32>} : memref<2x128x64xf32, #tpu.memory_space<vmem>>, vector<16xf32>,
        tpu.vector_store %arg7[%swap3A_479, %swap3A_480, %swap3A_481], %get3A_477 {strides = array<i32>} : memref<2x128x64xf32, #tpu.memory_space<vmem>>, vector<16xf32>,
        %get3A_483 = arith.constant 1 : i32
        %get3A_484 = arith.index_cast %get3A_483 : i32 to index
        %get3A_485 = arith.index_cast %add3A_452 : i32 to index
        %get3A_486 = arith.constant 48 : index
        %get3A_487 = tpu.vector_load %arg6[%get3A_484, %get3A_485, %get3A_486] {strides = array<i32>} : memref<2x128x128xf32, #tpu.memory_space<vmem>>, vector<16xf32>,
        %swap3A_488 = arith.constant 1 : i32
        %swap3A_489 = arith.index_cast %swap3A_488 : i32 to index
        %swap3A_490 = arith.index_cast %add3A_452 : i32 to index
        %swap3A_491 = arith.constant 48 : index
        %swap3A_492 = tpu.vector_load %arg7[%swap3A_489, %swap3A_490, %swap3A_491] {strides = array<i32>} : memref<2x128x64xf32, #tpu.memory_space<vmem>>, vector<16xf32>,
        tpu.vector_store %arg7[%swap3A_489, %swap3A_490, %swap3A_491], %get3A_487 {strides = array<i32>} : memref<2x128x64xf32, #tpu.memory_space<vmem>>, vector<16xf32>,
        %mul3A_493 = arith.constant 16 : i32
        %mul3A_494 = arith.muli %scan3A_142, %mul3A_493 : i32
        %add3A_495 = arith.constant 8 : i32
        %add3A_496 = arith.addi %mul3A_494, %add3A_495 : i32
        %get3A_497 = arith.constant 1 : i32
        %get3A_498 = arith.index_cast %get3A_497 : i32 to index
        %get3A_499 = arith.index_cast %add3A_496 : i32 to index
        %get3A_500 = arith.constant 0 : index
        %get3A_501 = tpu.vector_load %arg6[%get3A_498, %get3A_499, %get3A_500] {strides = array<i32>} : memref<2x128x128xf32, #tpu.memory_space<vmem>>, vector<16xf32>,
        %swap3A_502 = arith.constant 1 : i32
        %swap3A_503 = arith.index_cast %swap3A_502 : i32 to index
        %swap3A_504 = arith.index_cast %add3A_496 : i32 to index
        %swap3A_505 = arith.constant 0 : index
        %swap3A_506 = tpu.vector_load %arg7[%swap3A_503, %swap3A_504, %swap3A_505] {strides = array<i32>} : memref<2x128x64xf32, #tpu.memory_space<vmem>>, vector<16xf32>,
        tpu.vector_store %arg7[%swap3A_503, %swap3A_504, %swap3A_505], %get3A_501 {strides = array<i32>} : memref<2x128x64xf32, #tpu.memory_space<vmem>>, vector<16xf32>,
        %get3A_507 = arith.constant 1 : i32
        %get3A_508 = arith.index_cast %get3A_507 : i32 to index
        %get3A_509 = arith.index_cast %add3A_496 : i32 to index
        %get3A_510 = arith.constant 16 : index
        %get3A_511 = tpu.vector_load %arg6[%get3A_508, %get3A_509, %get3A_510] {strides = array<i32>} : memref<2x128x128xf32, #tpu.memory_space<vmem>>, vector<16xf32>,
        %swap3A_512 = arith.constant 1 : i32
        %swap3A_513 = arith.index_cast %swap3A_512 : i32 to index
        %swap3A_514 = arith.index_cast %add3A_496 : i32 to index
        %swap3A_515 = arith.constant 16 : index
        %swap3A_516 = tpu.vector_load %arg7[%swap3A_513, %swap3A_514, %swap3A_515] {strides = array<i32>} : memref<2x128x64xf32, #tpu.memory_space<vmem>>, vector<16xf32>,
        tpu.vector_store %arg7[%swap3A_513, %swap3A_514, %swap3A_515], %get3A_511 {strides = array<i32>} : memref<2x128x64xf32, #tpu.memory_space<vmem>>, vector<16xf32>,
        %get3A_517 = arith.constant 1 : i32
        %get3A_518 = arith.index_cast %get3A_517 : i32 to index
        %get3A_519 = arith.index_cast %add3A_496 : i32 to index
        %get3A_520 = arith.constant 32 : index
        %get3A_521 = tpu.vector_load %arg6[%get3A_518, %get3A_519, %get3A_520] {strides = array<i32>} : memref<2x128x128xf32, #tpu.memory_space<vmem>>, vector<16xf32>,
        %swap3A_522 = arith.constant 1 : i32
        %swap3A_523 = arith.index_cast %swap3A_522 : i32 to index
        %swap3A_524 = arith.index_cast %add3A_496 : i32 to index
        %swap3A_525 = arith.constant 32 : index
        %swap3A_526 = tpu.vector_load %arg7[%swap3A_523, %swap3A_524, %swap3A_525] {strides = array<i32>} : memref<2x128x64xf32, #tpu.memory_space<vmem>>, vector<16xf32>,
        tpu.vector_store %arg7[%swap3A_523, %swap3A_524, %swap3A_525], %get3A_521 {strides = array<i32>} : memref<2x128x64xf32, #tpu.memory_space<vmem>>, vector<16xf32>,
        %get3A_527 = arith.constant 1 : i32
        %get3A_528 = arith.index_cast %get3A_527 : i32 to index
        %get3A_529 = arith.index_cast %add3A_496 : i32 to index
        %get3A_530 = arith.constant 48 : index
        %get3A_531 = tpu.vector_load %arg6[%get3A_528, %get3A_529, %get3A_530] {strides = array<i32>} : memref<2x128x128xf32, #tpu.memory_space<vmem>>, vector<16xf32>,
        %swap3A_532 = arith.constant 1 : i32
        %swap3A_533 = arith.index_cast %swap3A_532 : i32 to index
        %swap3A_534 = arith.index_cast %add3A_496 : i32 to index
        %swap3A_535 = arith.constant 48 : index
        %swap3A_536 = tpu.vector_load %arg7[%swap3A_533, %swap3A_534, %swap3A_535] {strides = array<i32>} : memref<2x128x64xf32, #tpu.memory_space<vmem>>, vector<16xf32>,
        tpu.vector_store %arg7[%swap3A_533, %swap3A_534, %swap3A_535], %get3A_531 {strides = array<i32>} : memref<2x128x64xf32, #tpu.memory_space<vmem>>, vector<16xf32>,
        %mul3A_537 = arith.constant 16 : i32
        %mul3A_538 = arith.muli %scan3A_142, %mul3A_537 : i32
        %add3A_539 = arith.constant 9 : i32
        %add3A_540 = arith.addi %mul3A_538, %add3A_539 : i32
        %get3A_541 = arith.constant 1 : i32
        %get3A_542 = arith.index_cast %get3A_541 : i32 to index
        %get3A_543 = arith.index_cast %add3A_540 : i32 to index
        %get3A_544 = arith.constant 0 : index
        %get3A_545 = tpu.vector_load %arg6[%get3A_542, %get3A_543, %get3A_544] {strides = array<i32>} : memref<2x128x128xf32, #tpu.memory_space<vmem>>, vector<16xf32>,
        %swap3A_546 = arith.constant 1 : i32
        %swap3A_547 = arith.index_cast %swap3A_546 : i32 to index
        %swap3A_548 = arith.index_cast %add3A_540 : i32 to index
        %swap3A_549 = arith.constant 0 : index
        %swap3A_550 = tpu.vector_load %arg7[%swap3A_547, %swap3A_548, %swap3A_549] {strides = array<i32>} : memref<2x128x64xf32, #tpu.memory_space<vmem>>, vector<16xf32>,
        tpu.vector_store %arg7[%swap3A_547, %swap3A_548, %swap3A_549], %get3A_545 {strides = array<i32>} : memref<2x128x64xf32, #tpu.memory_space<vmem>>, vector<16xf32>,
        %get3A_551 = arith.constant 1 : i32
        %get3A_552 = arith.index_cast %get3A_551 : i32 to index
        %get3A_553 = arith.index_cast %add3A_540 : i32 to index
        %get3A_554 = arith.constant 16 : index
        %get3A_555 = tpu.vector_load %arg6[%get3A_552, %get3A_553, %get3A_554] {strides = array<i32>} : memref<2x128x128xf32, #tpu.memory_space<vmem>>, vector<16xf32>,
        %swap3A_556 = arith.constant 1 : i32
        %swap3A_557 = arith.index_cast %swap3A_556 : i32 to index
        %swap3A_558 = arith.index_cast %add3A_540 : i32 to index
        %swap3A_559 = arith.constant 16 : index
        %swap3A_560 = tpu.vector_load %arg7[%swap3A_557, %swap3A_558, %swap3A_559] {strides = array<i32>} : memref<2x128x64xf32, #tpu.memory_space<vmem>>, vector<16xf32>,
        tpu.vector_store %arg7[%swap3A_557, %swap3A_558, %swap3A_559], %get3A_555 {strides = array<i32>} : memref<2x128x64xf32, #tpu.memory_space<vmem>>, vector<16xf32>,
        %get3A_561 = arith.constant 1 : i32
        %get3A_562 = arith.index_cast %get3A_561 : i32 to index
        %get3A_563 = arith.index_cast %add3A_540 : i32 to index
        %get3A_564 = arith.constant 32 : index
        %get3A_565 = tpu.vector_load %arg6[%get3A_562, %get3A_563, %get3A_564] {strides = array<i32>} : memref<2x128x128xf32, #tpu.memory_space<vmem>>, vector<16xf32>,
        %swap3A_566 = arith.constant 1 : i32
        %swap3A_567 = arith.index_cast %swap3A_566 : i32 to index
        %swap3A_568 = arith.index_cast %add3A_540 : i32 to index
        %swap3A_569 = arith.constant 32 : index
        %swap3A_570 = tpu.vector_load %arg7[%swap3A_567, %swap3A_568, %swap3A_569] {strides = array<i32>} : memref<2x128x64xf32, #tpu.memory_space<vmem>>, vector<16xf32>,
        tpu.vector_store %arg7[%swap3A_567, %swap3A_568, %swap3A_569], %get3A_565 {strides = array<i32>} : memref<2x128x64xf32, #tpu.memory_space<vmem>>, vector<16xf32>,
        %get3A_571 = arith.constant 1 : i32
        %get3A_572 = arith.index_cast %get3A_571 : i32 to index
        %get3A_573 = arith.index_cast %add3A_540 : i32 to index
        %get3A_574 = arith.constant 48 : index
        %get3A_575 = tpu.vector_load %arg6[%get3A_572, %get3A_573, %get3A_574] {strides = array<i32>} : memref<2x128x128xf32, #tpu.memory_space<vmem>>, vector<16xf32>,
        %swap3A_576 = arith.constant 1 : i32
        %swap3A_577 = arith.index_cast %swap3A_576 : i32 to index
        %swap3A_578 = arith.index_cast %add3A_540 : i32 to index
        %swap3A_579 = arith.constant 48 : index
        %swap3A_580 = tpu.vector_load %arg7[%swap3A_577, %swap3A_578, %swap3A_579] {strides = array<i32>} : memref<2x128x64xf32, #tpu.memory_space<vmem>>, vector<16xf32>,
        tpu.vector_store %arg7[%swap3A_577, %swap3A_578, %swap3A_579], %get3A_575 {strides = array<i32>} : memref<2x128x64xf32, #tpu.memory_space<vmem>>, vector<16xf32>,
        %mul3A_581 = arith.constant 16 : i32
        %mul3A_582 = arith.muli %scan3A_142, %mul3A_581 : i32
        %add3A_583 = arith.constant 10 : i32
        %add3A_584 = arith.addi %mul3A_582, %add3A_583 : i32
        %get3A_585 = arith.constant 1 : i32
        %get3A_586 = arith.index_cast %get3A_585 : i32 to index
        %get3A_587 = arith.index_cast %add3A_584 : i32 to index
        %get3A_588 = arith.constant 0 : index
        %get3A_589 = tpu.vector_load %arg6[%get3A_586, %get3A_587, %get3A_588] {strides = array<i32>} : memref<2x128x128xf32, #tpu.memory_space<vmem>>, vector<16xf32>,
        %swap3A_590 = arith.constant 1 : i32
        %swap3A_591 = arith.index_cast %swap3A_590 : i32 to index
        %swap3A_592 = arith.index_cast %add3A_584 : i32 to index
        %swap3A_593 = arith.constant 0 : index
        %swap3A_594 = tpu.vector_load %arg7[%swap3A_591, %swap3A_592, %swap3A_593] {strides = array<i32>} : memref<2x128x64xf32, #tpu.memory_space<vmem>>, vector<16xf32>,
        tpu.vector_store %arg7[%swap3A_591, %swap3A_592, %swap3A_593], %get3A_589 {strides = array<i32>} : memref<2x128x64xf32, #tpu.memory_space<vmem>>, vector<16xf32>,
        %get3A_595 = arith.constant 1 : i32
        %get3A_596 = arith.index_cast %get3A_595 : i32 to index
        %get3A_597 = arith.index_cast %add3A_584 : i32 to index
        %get3A_598 = arith.constant 16 : index
        %get3A_599 = tpu.vector_load %arg6[%get3A_596, %get3A_597, %get3A_598] {strides = array<i32>} : memref<2x128x128xf32, #tpu.memory_space<vmem>>, vector<16xf32>,
        %swap3A_600 = arith.constant 1 : i32
        %swap3A_601 = arith.index_cast %swap3A_600 : i32 to index
        %swap3A_602 = arith.index_cast %add3A_584 : i32 to index
        %swap3A_603 = arith.constant 16 : index
        %swap3A_604 = tpu.vector_load %arg7[%swap3A_601, %swap3A_602, %swap3A_603] {strides = array<i32>} : memref<2x128x64xf32, #tpu.memory_space<vmem>>, vector<16xf32>,
        tpu.vector_store %arg7[%swap3A_601, %swap3A_602, %swap3A_603], %get3A_599 {strides = array<i32>} : memref<2x128x64xf32, #tpu.memory_space<vmem>>, vector<16xf32>,
        %get3A_605 = arith.constant 1 : i32
        %get3A_606 = arith.index_cast %get3A_605 : i32 to index
        %get3A_607 = arith.index_cast %add3A_584 : i32 to index
        %get3A_608 = arith.constant 32 : index
        %get3A_609 = tpu.vector_load %arg6[%get3A_606, %get3A_607, %get3A_608] {strides = array<i32>} : memref<2x128x128xf32, #tpu.memory_space<vmem>>, vector<16xf32>,
        %swap3A_610 = arith.constant 1 : i32
        %swap3A_611 = arith.index_cast %swap3A_610 : i32 to index
        %swap3A_612 = arith.index_cast %add3A_584 : i32 to index
        %swap3A_613 = arith.constant 32 : index
        %swap3A_614 = tpu.vector_load %arg7[%swap3A_611, %swap3A_612, %swap3A_613] {strides = array<i32>} : memref<2x128x64xf32, #tpu.memory_space<vmem>>, vector<16xf32>,
        tpu.vector_store %arg7[%swap3A_611, %swap3A_612, %swap3A_613], %get3A_609 {strides = array<i32>} : memref<2x128x64xf32, #tpu.memory_space<vmem>>, vector<16xf32>,
        %get3A_615 = arith.constant 1 : i32
        %get3A_616 = arith.index_cast %get3A_615 : i32 to index
        %get3A_617 = arith.index_cast %add3A_584 : i32 to index
        %get3A_618 = arith.constant 48 : index
        %get3A_619 = tpu.vector_load %arg6[%get3A_616, %get3A_617, %get3A_618] {strides = array<i32>} : memref<2x128x128xf32, #tpu.memory_space<vmem>>, vector<16xf32>,
        %swap3A_620 = arith.constant 1 : i32
        %swap3A_621 = arith.index_cast %swap3A_620 : i32 to index
        %swap3A_622 = arith.index_cast %add3A_584 : i32 to index
        %swap3A_623 = arith.constant 48 : index
        %swap3A_624 = tpu.vector_load %arg7[%swap3A_621, %swap3A_622, %swap3A_623] {strides = array<i32>} : memref<2x128x64xf32, #tpu.memory_space<vmem>>, vector<16xf32>,
        tpu.vector_store %arg7[%swap3A_621, %swap3A_622, %swap3A_623], %get3A_619 {strides = array<i32>} : memref<2x128x64xf32, #tpu.memory_space<vmem>>, vector<16xf32>,
        %mul3A_625 = arith.constant 16 : i32
        %mul3A_626 = arith.muli %scan3A_142, %mul3A_625 : i32
        %add3A_627 = arith.constant 11 : i32
        %add3A_628 = arith.addi %mul3A_626, %add3A_627 : i32
        %get3A_629 = arith.constant 1 : i32
        %get3A_630 = arith.index_cast %get3A_629 : i32 to index
        %get3A_631 = arith.index_cast %add3A_628 : i32 to index
        %get3A_632 = arith.constant 0 : index
        %get3A_633 = tpu.vector_load %arg6[%get3A_630, %get3A_631, %get3A_632] {strides = array<i32>} : memref<2x128x128xf32, #tpu.memory_space<vmem>>, vector<16xf32>,
        %swap3A_634 = arith.constant 1 : i32
        %swap3A_635 = arith.index_cast %swap3A_634 : i32 to index
        %swap3A_636 = arith.index_cast %add3A_628 : i32 to index
        %swap3A_637 = arith.constant 0 : index
        %swap3A_638 = tpu.vector_load %arg7[%swap3A_635, %swap3A_636, %swap3A_637] {strides = array<i32>} : memref<2x128x64xf32, #tpu.memory_space<vmem>>, vector<16xf32>,
        tpu.vector_store %arg7[%swap3A_635, %swap3A_636, %swap3A_637], %get3A_633 {strides = array<i32>} : memref<2x128x64xf32, #tpu.memory_space<vmem>>, vector<16xf32>,
        %get3A_639 = arith.constant 1 : i32
        %get3A_640 = arith.index_cast %get3A_639 : i32 to index
        %get3A_641 = arith.index_cast %add3A_628 : i32 to index
        %get3A_642 = arith.constant 16 : index
        %get3A_643 = tpu.vector_load %arg6[%get3A_640, %get3A_641, %get3A_642] {strides = array<i32>} : memref<2x128x128xf32, #tpu.memory_space<vmem>>, vector<16xf32>,
        %swap3A_644 = arith.constant 1 : i32
        %swap3A_645 = arith.index_cast %swap3A_644 : i32 to index
        %swap3A_646 = arith.index_cast %add3A_628 : i32 to index
        %swap3A_647 = arith.constant 16 : index
        %swap3A_648 = tpu.vector_load %arg7[%swap3A_645, %swap3A_646, %swap3A_647] {strides = array<i32>} : memref<2x128x64xf32, #tpu.memory_space<vmem>>, vector<16xf32>,
        tpu.vector_store %arg7[%swap3A_645, %swap3A_646, %swap3A_647], %get3A_643 {strides = array<i32>} : memref<2x128x64xf32, #tpu.memory_space<vmem>>, vector<16xf32>,
        %get3A_649 = arith.constant 1 : i32
        %get3A_650 = arith.index_cast %get3A_649 : i32 to index
        %get3A_651 = arith.index_cast %add3A_628 : i32 to index
        %get3A_652 = arith.constant 32 : index
        %get3A_653 = tpu.vector_load %arg6[%get3A_650, %get3A_651, %get3A_652] {strides = array<i32>} : memref<2x128x128xf32, #tpu.memory_space<vmem>>, vector<16xf32>,
        %swap3A_654 = arith.constant 1 : i32
        %swap3A_655 = arith.index_cast %swap3A_654 : i32 to index
        %swap3A_656 = arith.index_cast %add3A_628 : i32 to index
        %swap3A_657 = arith.constant 32 : index
        %swap3A_658 = tpu.vector_load %arg7[%swap3A_655, %swap3A_656, %swap3A_657] {strides = array<i32>} : memref<2x128x64xf32, #tpu.memory_space<vmem>>, vector<16xf32>,
        tpu.vector_store %arg7[%swap3A_655, %swap3A_656, %swap3A_657], %get3A_653 {strides = array<i32>} : memref<2x128x64xf32, #tpu.memory_space<vmem>>, vector<16xf32>,
        %get3A_659 = arith.constant 1 : i32
        %get3A_660 = arith.index_cast %get3A_659 : i32 to index
        %get3A_661 = arith.index_cast %add3A_628 : i32 to index
        %get3A_662 = arith.constant 48 : index
        %get3A_663 = tpu.vector_load %arg6[%get3A_660, %get3A_661, %get3A_662] {strides = array<i32>} : memref<2x128x128xf32, #tpu.memory_space<vmem>>, vector<16xf32>,
        %swap3A_664 = arith.constant 1 : i32
        %swap3A_665 = arith.index_cast %swap3A_664 : i32 to index
        %swap3A_666 = arith.index_cast %add3A_628 : i32 to index
        %swap3A_667 = arith.constant 48 : index
        %swap3A_668 = tpu.vector_load %arg7[%swap3A_665, %swap3A_666, %swap3A_667] {strides = array<i32>} : memref<2x128x64xf32, #tpu.memory_space<vmem>>, vector<16xf32>,
        tpu.vector_store %arg7[%swap3A_665, %swap3A_666, %swap3A_667], %get3A_663 {strides = array<i32>} : memref<2x128x64xf32, #tpu.memory_space<vmem>>, vector<16xf32>,
        %mul3A_669 = arith.constant 16 : i32
        %mul3A_670 = arith.muli %scan3A_142, %mul3A_669 : i32
        %add3A_671 = arith.constant 12 : i32
        %add3A_672 = arith.addi %mul3A_670, %add3A_671 : i32
        %get3A_673 = arith.constant 1 : i32
        %get3A_674 = arith.index_cast %get3A_673 : i32 to index
        %get3A_675 = arith.index_cast %add3A_672 : i32 to index
        %get3A_676 = arith.constant 0 : index
        %get3A_677 = tpu.vector_load %arg6[%get3A_674, %get3A_675, %get3A_676] {strides = array<i32>} : memref<2x128x128xf32, #tpu.memory_space<vmem>>, vector<16xf32>,
        %swap3A_678 = arith.constant 1 : i32
        %swap3A_679 = arith.index_cast %swap3A_678 : i32 to index
        %swap3A_680 = arith.index_cast %add3A_672 : i32 to index
        %swap3A_681 = arith.constant 0 : index
        %swap3A_682 = tpu.vector_load %arg7[%swap3A_679, %swap3A_680, %swap3A_681] {strides = array<i32>} : memref<2x128x64xf32, #tpu.memory_space<vmem>>, vector<16xf32>,
        tpu.vector_store %arg7[%swap3A_679, %swap3A_680, %swap3A_681], %get3A_677 {strides = array<i32>} : memref<2x128x64xf32, #tpu.memory_space<vmem>>, vector<16xf32>,
        %get3A_683 = arith.constant 1 : i32
        %get3A_684 = arith.index_cast %get3A_683 : i32 to index
        %get3A_685 = arith.index_cast %add3A_672 : i32 to index
        %get3A_686 = arith.constant 16 : index
        %get3A_687 = tpu.vector_load %arg6[%get3A_684, %get3A_685, %get3A_686] {strides = array<i32>} : memref<2x128x128xf32, #tpu.memory_space<vmem>>, vector<16xf32>,
        %swap3A_688 = arith.constant 1 : i32
        %swap3A_689 = arith.index_cast %swap3A_688 : i32 to index
        %swap3A_690 = arith.index_cast %add3A_672 : i32 to index
        %swap3A_691 = arith.constant 16 : index
        %swap3A_692 = tpu.vector_load %arg7[%swap3A_689, %swap3A_690, %swap3A_691] {strides = array<i32>} : memref<2x128x64xf32, #tpu.memory_space<vmem>>, vector<16xf32>,
        tpu.vector_store %arg7[%swap3A_689, %swap3A_690, %swap3A_691], %get3A_687 {strides = array<i32>} : memref<2x128x64xf32, #tpu.memory_space<vmem>>, vector<16xf32>,
        %get3A_693 = arith.constant 1 : i32
        %get3A_694 = arith.index_cast %get3A_693 : i32 to index
        %get3A_695 = arith.index_cast %add3A_672 : i32 to index
        %get3A_696 = arith.constant 32 : index
        %get3A_697 = tpu.vector_load %arg6[%get3A_694, %get3A_695, %get3A_696] {strides = array<i32>} : memref<2x128x128xf32, #tpu.memory_space<vmem>>, vector<16xf32>,
        %swap3A_698 = arith.constant 1 : i32
        %swap3A_699 = arith.index_cast %swap3A_698 : i32 to index
        %swap3A_700 = arith.index_cast %add3A_672 : i32 to index
        %swap3A_701 = arith.constant 32 : index
        %swap3A_702 = tpu.vector_load %arg7[%swap3A_699, %swap3A_700, %swap3A_701] {strides = array<i32>} : memref<2x128x64xf32, #tpu.memory_space<vmem>>, vector<16xf32>,
        tpu.vector_store %arg7[%swap3A_699, %swap3A_700, %swap3A_701], %get3A_697 {strides = array<i32>} : memref<2x128x64xf32, #tpu.memory_space<vmem>>, vector<16xf32>,
        %get3A_703 = arith.constant 1 : i32
        %get3A_704 = arith.index_cast %get3A_703 : i32 to index
        %get3A_705 = arith.index_cast %add3A_672 : i32 to index
        %get3A_706 = arith.constant 48 : index
        %get3A_707 = tpu.vector_load %arg6[%get3A_704, %get3A_705, %get3A_706] {strides = array<i32>} : memref<2x128x128xf32, #tpu.memory_space<vmem>>, vector<16xf32>,
        %swap3A_708 = arith.constant 1 : i32
        %swap3A_709 = arith.index_cast %swap3A_708 : i32 to index
        %swap3A_710 = arith.index_cast %add3A_672 : i32 to index
        %swap3A_711 = arith.constant 48 : index
        %swap3A_712 = tpu.vector_load %arg7[%swap3A_709, %swap3A_710, %swap3A_711] {strides = array<i32>} : memref<2x128x64xf32, #tpu.memory_space<vmem>>, vector<16xf32>,
        tpu.vector_store %arg7[%swap3A_709, %swap3A_710, %swap3A_711], %get3A_707 {strides = array<i32>} : memref<2x128x64xf32, #tpu.memory_space<vmem>>, vector<16xf32>,
        %mul3A_713 = arith.constant 16 : i32
        %mul3A_714 = arith.muli %scan3A_142, %mul3A_713 : i32
        %add3A_715 = arith.constant 13 : i32
        %add3A_716 = arith.addi %mul3A_714, %add3A_715 : i32
        %get3A_717 = arith.constant 1 : i32
        %get3A_718 = arith.index_cast %get3A_717 : i32 to index
        %get3A_719 = arith.index_cast %add3A_716 : i32 to index
        %get3A_720 = arith.constant 0 : index
        %get3A_721 = tpu.vector_load %arg6[%get3A_718, %get3A_719, %get3A_720] {strides = array<i32>} : memref<2x128x128xf32, #tpu.memory_space<vmem>>, vector<16xf32>,
        %swap3A_722 = arith.constant 1 : i32
        %swap3A_723 = arith.index_cast %swap3A_722 : i32 to index
        %swap3A_724 = arith.index_cast %add3A_716 : i32 to index
        %swap3A_725 = arith.constant 0 : index
        %swap3A_726 = tpu.vector_load %arg7[%swap3A_723, %swap3A_724, %swap3A_725] {strides = array<i32>} : memref<2x128x64xf32, #tpu.memory_space<vmem>>, vector<16xf32>,
        tpu.vector_store %arg7[%swap3A_723, %swap3A_724, %swap3A_725], %get3A_721 {strides = array<i32>} : memref<2x128x64xf32, #tpu.memory_space<vmem>>, vector<16xf32>,
        %get3A_727 = arith.constant 1 : i32
        %get3A_728 = arith.index_cast %get3A_727 : i32 to index
        %get3A_729 = arith.index_cast %add3A_716 : i32 to index
        %get3A_730 = arith.constant 16 : index
        %get3A_731 = tpu.vector_load %arg6[%get3A_728, %get3A_729, %get3A_730] {strides = array<i32>} : memref<2x128x128xf32, #tpu.memory_space<vmem>>, vector<16xf32>,
        %swap3A_732 = arith.constant 1 : i32
        %swap3A_733 = arith.index_cast %swap3A_732 : i32 to index
        %swap3A_734 = arith.index_cast %add3A_716 : i32 to index
        %swap3A_735 = arith.constant 16 : index
        %swap3A_736 = tpu.vector_load %arg7[%swap3A_733, %swap3A_734, %swap3A_735] {strides = array<i32>} : memref<2x128x64xf32, #tpu.memory_space<vmem>>, vector<16xf32>,
        tpu.vector_store %arg7[%swap3A_733, %swap3A_734, %swap3A_735], %get3A_731 {strides = array<i32>} : memref<2x128x64xf32, #tpu.memory_space<vmem>>, vector<16xf32>,
        %get3A_737 = arith.constant 1 : i32
        %get3A_738 = arith.index_cast %get3A_737 : i32 to index
        %get3A_739 = arith.index_cast %add3A_716 : i32 to index
        %get3A_740 = arith.constant 32 : index
        %get3A_741 = tpu.vector_load %arg6[%get3A_738, %get3A_739, %get3A_740] {strides = array<i32>} : memref<2x128x128xf32, #tpu.memory_space<vmem>>, vector<16xf32>,
        %swap3A_742 = arith.constant 1 : i32
        %swap3A_743 = arith.index_cast %swap3A_742 : i32 to index
        %swap3A_744 = arith.index_cast %add3A_716 : i32 to index
        %swap3A_745 = arith.constant 32 : index
        %swap3A_746 = tpu.vector_load %arg7[%swap3A_743, %swap3A_744, %swap3A_745] {strides = array<i32>} : memref<2x128x64xf32, #tpu.memory_space<vmem>>, vector<16xf32>,
        tpu.vector_store %arg7[%swap3A_743, %swap3A_744, %swap3A_745], %get3A_741 {strides = array<i32>} : memref<2x128x64xf32, #tpu.memory_space<vmem>>, vector<16xf32>,
        %get3A_747 = arith.constant 1 : i32
        %get3A_748 = arith.index_cast %get3A_747 : i32 to index
        %get3A_749 = arith.index_cast %add3A_716 : i32 to index
        %get3A_750 = arith.constant 48 : index
        %get3A_751 = tpu.vector_load %arg6[%get3A_748, %get3A_749, %get3A_750] {strides = array<i32>} : memref<2x128x128xf32, #tpu.memory_space<vmem>>, vector<16xf32>,
        %swap3A_752 = arith.constant 1 : i32
        %swap3A_753 = arith.index_cast %swap3A_752 : i32 to index
        %swap3A_754 = arith.index_cast %add3A_716 : i32 to index
        %swap3A_755 = arith.constant 48 : index
        %swap3A_756 = tpu.vector_load %arg7[%swap3A_753, %swap3A_754, %swap3A_755] {strides = array<i32>} : memref<2x128x64xf32, #tpu.memory_space<vmem>>, vector<16xf32>,
        tpu.vector_store %arg7[%swap3A_753, %swap3A_754, %swap3A_755], %get3A_751 {strides = array<i32>} : memref<2x128x64xf32, #tpu.memory_space<vmem>>, vector<16xf32>,
        %mul3A_757 = arith.constant 16 : i32
        %mul3A_758 = arith.muli %scan3A_142, %mul3A_757 : i32
        %add3A_759 = arith.constant 14 : i32
        %add3A_760 = arith.addi %mul3A_758, %add3A_759 : i32
        %get3A_761 = arith.constant 1 : i32
        %get3A_762 = arith.index_cast %get3A_761 : i32 to index
        %get3A_763 = arith.index_cast %add3A_760 : i32 to index
        %get3A_764 = arith.constant 0 : index
        %get3A_765 = tpu.vector_load %arg6[%get3A_762, %get3A_763, %get3A_764] {strides = array<i32>} : memref<2x128x128xf32, #tpu.memory_space<vmem>>, vector<16xf32>,
        %swap3A_766 = arith.constant 1 : i32
        %swap3A_767 = arith.index_cast %swap3A_766 : i32 to index
        %swap3A_768 = arith.index_cast %add3A_760 : i32 to index
        %swap3A_769 = arith.constant 0 : index
        %swap3A_770 = tpu.vector_load %arg7[%swap3A_767, %swap3A_768, %swap3A_769] {strides = array<i32>} : memref<2x128x64xf32, #tpu.memory_space<vmem>>, vector<16xf32>,
        tpu.vector_store %arg7[%swap3A_767, %swap3A_768, %swap3A_769], %get3A_765 {strides = array<i32>} : memref<2x128x64xf32, #tpu.memory_space<vmem>>, vector<16xf32>,
        %get3A_771 = arith.constant 1 : i32
        %get3A_772 = arith.index_cast %get3A_771 : i32 to index
        %get3A_773 = arith.index_cast %add3A_760 : i32 to index
        %get3A_774 = arith.constant 16 : index
        %get3A_775 = tpu.vector_load %arg6[%get3A_772, %get3A_773, %get3A_774] {strides = array<i32>} : memref<2x128x128xf32, #tpu.memory_space<vmem>>, vector<16xf32>,
        %swap3A_776 = arith.constant 1 : i32
        %swap3A_777 = arith.index_cast %swap3A_776 : i32 to index
        %swap3A_778 = arith.index_cast %add3A_760 : i32 to index
        %swap3A_779 = arith.constant 16 : index
        %swap3A_780 = tpu.vector_load %arg7[%swap3A_777, %swap3A_778, %swap3A_779] {strides = array<i32>} : memref<2x128x64xf32, #tpu.memory_space<vmem>>, vector<16xf32>,
        tpu.vector_store %arg7[%swap3A_777, %swap3A_778, %swap3A_779], %get3A_775 {strides = array<i32>} : memref<2x128x64xf32, #tpu.memory_space<vmem>>, vector<16xf32>,
        %get3A_781 = arith.constant 1 : i32
        %get3A_782 = arith.index_cast %get3A_781 : i32 to index
        %get3A_783 = arith.index_cast %add3A_760 : i32 to index
        %get3A_784 = arith.constant 32 : index
        %get3A_785 = tpu.vector_load %arg6[%get3A_782, %get3A_783, %get3A_784] {strides = array<i32>} : memref<2x128x128xf32, #tpu.memory_space<vmem>>, vector<16xf32>,
        %swap3A_786 = arith.constant 1 : i32
        %swap3A_787 = arith.index_cast %swap3A_786 : i32 to index
        %swap3A_788 = arith.index_cast %add3A_760 : i32 to index
        %swap3A_789 = arith.constant 32 : index
        %swap3A_790 = tpu.vector_load %arg7[%swap3A_787, %swap3A_788, %swap3A_789] {strides = array<i32>} : memref<2x128x64xf32, #tpu.memory_space<vmem>>, vector<16xf32>,
        tpu.vector_store %arg7[%swap3A_787, %swap3A_788, %swap3A_789], %get3A_785 {strides = array<i32>} : memref<2x128x64xf32, #tpu.memory_space<vmem>>, vector<16xf32>,
        %get3A_791 = arith.constant 1 : i32
        %get3A_792 = arith.index_cast %get3A_791 : i32 to index
        %get3A_793 = arith.index_cast %add3A_760 : i32 to index
        %get3A_794 = arith.constant 48 : index
        %get3A_795 = tpu.vector_load %arg6[%get3A_792, %get3A_793, %get3A_794] {strides = array<i32>} : memref<2x128x128xf32, #tpu.memory_space<vmem>>, vector<16xf32>,
        %swap3A_796 = arith.constant 1 : i32
        %swap3A_797 = arith.index_cast %swap3A_796 : i32 to index
        %swap3A_798 = arith.index_cast %add3A_760 : i32 to index
        %swap3A_799 = arith.constant 48 : index
        %swap3A_800 = tpu.vector_load %arg7[%swap3A_797, %swap3A_798, %swap3A_799] {strides = array<i32>} : memref<2x128x64xf32, #tpu.memory_space<vmem>>, vector<16xf32>,
        tpu.vector_store %arg7[%swap3A_797, %swap3A_798, %swap3A_799], %get3A_795 {strides = array<i32>} : memref<2x128x64xf32, #tpu.memory_space<vmem>>, vector<16xf32>,
        %mul3A_801 = arith.constant 16 : i32
        %mul3A_802 = arith.muli %scan3A_142, %mul3A_801 : i32
        %add3A_803 = arith.constant 15 : i32
        %add3A_804 = arith.addi %mul3A_802, %add3A_803 : i32
        %get3A_805 = arith.constant 1 : i32
        %get3A_806 = arith.index_cast %get3A_805 : i32 to index
        %get3A_807 = arith.index_cast %add3A_804 : i32 to index
        %get3A_808 = arith.constant 0 : index
        %get3A_809 = tpu.vector_load %arg6[%get3A_806, %get3A_807, %get3A_808] {strides = array<i32>} : memref<2x128x128xf32, #tpu.memory_space<vmem>>, vector<16xf32>,
        %swap3A_810 = arith.constant 1 : i32
        %swap3A_811 = arith.index_cast %swap3A_810 : i32 to index
        %swap3A_812 = arith.index_cast %add3A_804 : i32 to index
        %swap3A_813 = arith.constant 0 : index
        %swap3A_814 = tpu.vector_load %arg7[%swap3A_811, %swap3A_812, %swap3A_813] {strides = array<i32>} : memref<2x128x64xf32, #tpu.memory_space<vmem>>, vector<16xf32>,
        tpu.vector_store %arg7[%swap3A_811, %swap3A_812, %swap3A_813], %get3A_809 {strides = array<i32>} : memref<2x128x64xf32, #tpu.memory_space<vmem>>, vector<16xf32>,
        %get3A_815 = arith.constant 1 : i32
        %get3A_816 = arith.index_cast %get3A_815 : i32 to index
        %get3A_817 = arith.index_cast %add3A_804 : i32 to index
        %get3A_818 = arith.constant 16 : index
        %get3A_819 = tpu.vector_load %arg6[%get3A_816, %get3A_817, %get3A_818] {strides = array<i32>} : memref<2x128x128xf32, #tpu.memory_space<vmem>>, vector<16xf32>,
        %swap3A_820 = arith.constant 1 : i32
        %swap3A_821 = arith.index_cast %swap3A_820 : i32 to index
        %swap3A_822 = arith.index_cast %add3A_804 : i32 to index
        %swap3A_823 = arith.constant 16 : index
        %swap3A_824 = tpu.vector_load %arg7[%swap3A_821, %swap3A_822, %swap3A_823] {strides = array<i32>} : memref<2x128x64xf32, #tpu.memory_space<vmem>>, vector<16xf32>,
        tpu.vector_store %arg7[%swap3A_821, %swap3A_822, %swap3A_823], %get3A_819 {strides = array<i32>} : memref<2x128x64xf32, #tpu.memory_space<vmem>>, vector<16xf32>,
        %get3A_825 = arith.constant 1 : i32
        %get3A_826 = arith.index_cast %get3A_825 : i32 to index
        %get3A_827 = arith.index_cast %add3A_804 : i32 to index
        %get3A_828 = arith.constant 32 : index
        %get3A_829 = tpu.vector_load %arg6[%get3A_826, %get3A_827, %get3A_828] {strides = array<i32>} : memref<2x128x128xf32, #tpu.memory_space<vmem>>, vector<16xf32>,
        %swap3A_830 = arith.constant 1 : i32
        %swap3A_831 = arith.index_cast %swap3A_830 : i32 to index
        %swap3A_832 = arith.index_cast %add3A_804 : i32 to index
        %swap3A_833 = arith.constant 32 : index
        %swap3A_834 = tpu.vector_load %arg7[%swap3A_831, %swap3A_832, %swap3A_833] {strides = array<i32>} : memref<2x128x64xf32, #tpu.memory_space<vmem>>, vector<16xf32>,
        tpu.vector_store %arg7[%swap3A_831, %swap3A_832, %swap3A_833], %get3A_829 {strides = array<i32>} : memref<2x128x64xf32, #tpu.memory_space<vmem>>, vector<16xf32>,
        %get3A_835 = arith.constant 1 : i32
        %get3A_836 = arith.index_cast %get3A_835 : i32 to index
        %get3A_837 = arith.index_cast %add3A_804 : i32 to index
        %get3A_838 = arith.constant 48 : index
        %get3A_839 = tpu.vector_load %arg6[%get3A_836, %get3A_837, %get3A_838] {strides = array<i32>} : memref<2x128x128xf32, #tpu.memory_space<vmem>>, vector<16xf32>,
        %swap3A_840 = arith.constant 1 : i32
        %swap3A_841 = arith.index_cast %swap3A_840 : i32 to index
        %swap3A_842 = arith.index_cast %add3A_804 : i32 to index
        %swap3A_843 = arith.constant 48 : index
        %swap3A_844 = tpu.vector_load %arg7[%swap3A_841, %swap3A_842, %swap3A_843] {strides = array<i32>} : memref<2x128x64xf32, #tpu.memory_space<vmem>>, vector<16xf32>,
        tpu.vector_store %arg7[%swap3A_841, %swap3A_842, %swap3A_843], %get3A_839 {strides = array<i32>} : memref<2x128x64xf32, #tpu.memory_space<vmem>>, vector<16xf32>,
      }
      %scan3A_125 = arith.constant 8 : i32
      %mul3A_126 = arith.constant 128 : i32
      %mul3A_127 = arith.muli %add3A_119, %mul3A_126 : i32
      %add3A_128 = arith.addi %mul3A_2, %mul3A_127 : i32
      %dma_start3A_129 = arith.constant 1 : i32
      %dma_start3A_130 = arith.constant 0 : i32
      %dma_start3A_131 = arith.constant 0 : i32
      %dma_start3A_132 = tpu.memref_slice %arg7[%dma_start3A_129, %dma_start3A_130, %dma_start3A_131] : memref<2x128x64xf32, #tpu.memory_space<vmem>> -> memref<1x128x64xf32, #tpu.memory_space<vmem>>
      %dma_start3A_133 = tpu.memref_squeeze %dma_start3A_132 : memref<1x128x64xf32, #tpu.memory_space<vmem>> -> memref<128x64xf32, #tpu.memory_space<vmem>>
      %dma_start3A_134 = arith.constant 0 : i32
      %dma_start3A_135 = tpu.memref_slice %arg4[%add3A_128, %dma_start3A_134] : memref<425984x64xf32, #tpu.memory_space<hbm>> -> memref<128x64xf32, #tpu.memory_space<hbm>>
      %dma_start3A_136 = arith.constant 0 : i32
      %dma_start3A_137 = tpu.memref_slice %arg4[%add3A_128, %dma_start3A_136] : memref<425984x64xf32, #tpu.memory_space<hbm>> -> memref<128x64xf32, #tpu.memory_space<hbm>>
      %dma_start3A_138 = arith.constant 0 : i32
      %dma_start3A_139 = arith.constant 0 : i32
      %dma_start3A_140 = tpu.memref_slice %arg7[%dma_start3A_129, %dma_start3A_138, %dma_start3A_139] : memref<2x128x64xf32, #tpu.memory_space<vmem>> -> memref<1x128x64xf32, #tpu.memory_space<vmem>>
      %dma_start3A_141 = tpu.memref_squeeze %dma_start3A_140 : memref<1x128x64xf32, #tpu.memory_space<vmem>> -> memref<128x64xf32, #tpu.memory_space<vmem>>
      tpu.enqueue_dma source(%dma_start3A_141 : memref<128x64xf32, #tpu.memory_space<vmem>>) target(%dma_start3A_137 : memref<128x64xf32, #tpu.memory_space<hbm>>) target_semaphore(%arg11 : memref<!tpu.dma_semaphore, #tpu.memory_space<semaphore_mem>>)
    }
    %scan3A_16 = arith.constant 52 : i32
    %dma_wait3A = arith.constant 0 : i32
    %dma_wait3A_17 = arith.constant 0 : i32
    %dma_wait3A_18 = arith.constant 0 : i32
    %dma_wait3A_19 = tpu.memref_slice %arg7[%dma_wait3A, %dma_wait3A_17, %dma_wait3A_18] : memref<2x128x64xf32, #tpu.memory_space<vmem>> -> memref<1x128x64xf32, #tpu.memory_space<vmem>>
    %dma_wait3A_20 = tpu.memref_squeeze %dma_wait3A_19 : memref<1x128x64xf32, #tpu.memory_space<vmem>> -> memref<128x64xf32, #tpu.memory_space<vmem>>
    %dma_wait3A_21 = arith.constant 0 : i32
    %dma_wait3A_22 = arith.constant 0 : i32
    %dma_wait3A_23 = tpu.memref_slice %arg4[%dma_wait3A_21, %dma_wait3A_22] : memref<425984x64xf32, #tpu.memory_space<hbm>> -> memref<128x64xf32, #tpu.memory_space<hbm>>
    %dma_wait3A_24 = arith.constant 0 : i32
    %dma_wait3A_25 = arith.constant 0 : i32
    %dma_wait3A_26 = tpu.memref_slice %arg4[%dma_wait3A_24, %dma_wait3A_25] : memref<425984x64xf32, #tpu.memory_space<hbm>> -> memref<128x64xf32, #tpu.memory_space<hbm>>
    %dma_wait3A_27 = arith.constant 0 : i32
    %dma_wait3A_28 = arith.constant 0 : i32
    %dma_wait3A_29 = tpu.memref_slice %arg7[%dma_wait3A, %dma_wait3A_27, %dma_wait3A_28] : memref<2x128x64xf32, #tpu.memory_space<vmem>> -> memref<1x128x64xf32, #tpu.memory_space<vmem>>
    %dma_wait3A_30 = tpu.memref_squeeze %dma_wait3A_29 : memref<1x128x64xf32, #tpu.memory_space<vmem>> -> memref<128x64xf32, #tpu.memory_space<vmem>>
    tpu.wait_dma2 semaphore(%arg10 : memref<!tpu.dma_semaphore, #tpu.memory_space<semaphore_mem>>) src(%dma_wait3A_30 : memref<128x64xf32, #tpu.memory_space<vmem>>) dst(%dma_wait3A_26 : memref<128x64xf32, #tpu.memory_space<hbm>>)
    %dma_wait3A_31 = arith.constant 1 : i32
    %dma_wait3A_32 = arith.constant 0 : i32
    %dma_wait3A_33 = arith.constant 0 : i32
    %dma_wait3A_34 = tpu.memref_slice %arg7[%dma_wait3A_31, %dma_wait3A_32, %dma_wait3A_33] : memref<2x128x64xf32, #tpu.memory_space<vmem>> -> memref<1x128x64xf32, #tpu.memory_space<vmem>>
    %dma_wait3A_35 = tpu.memref_squeeze %dma_wait3A_34 : memref<1x128x64xf32, #tpu.memory_space<vmem>> -> memref<128x64xf32, #tpu.memory_space<vmem>>
    %dma_wait3A_36 = arith.constant 0 : i32
    %dma_wait3A_37 = arith.constant 0 : i32
    %dma_wait3A_38 = tpu.memref_slice %arg4[%dma_wait3A_36, %dma_wait3A_37] : memref<425984x64xf32, #tpu.memory_space<hbm>> -> memref<128x64xf32, #tpu.memory_space<hbm>>
    %dma_wait3A_39 = arith.constant 0 : i32
    %dma_wait3A_40 = arith.constant 0 : i32
    %dma_wait3A_41 = tpu.memref_slice %arg4[%dma_wait3A_39, %dma_wait3A_40] : memref<425984x64xf32, #tpu.memory_space<hbm>> -> memref<128x64xf32, #tpu.memory_space<hbm>>
    %dma_wait3A_42 = arith.constant 0 : i32
    %dma_wait3A_43 = arith.constant 0 : i32
    %dma_wait3A_44 = tpu.memref_slice %arg7[%dma_wait3A_31, %dma_wait3A_42, %dma_wait3A_43] : memref<2x128x64xf32, #tpu.memory_space<vmem>> -> memref<1x128x64xf32, #tpu.memory_space<vmem>>
    %dma_wait3A_45 = tpu.memref_squeeze %dma_wait3A_44 : memref<1x128x64xf32, #tpu.memory_space<vmem>> -> memref<128x64xf32, #tpu.memory_space<vmem>>
    tpu.wait_dma2 semaphore(%arg11 : memref<!tpu.dma_semaphore, #tpu.memory_space<semaphore_mem>>) src(%dma_wait3A_45 : memref<128x64xf32, #tpu.memory_space<vmem>>) dst(%dma_wait3A_41 : memref<128x64xf32, #tpu.memory_space<hbm>>)
    return
  }
}

module attributes {stable_mosaic.version = 14 : i64} {
  func.func @body(%arg0: i32, %arg1: memref<64x12288xf32, #tpu.memory_space<vmem>>, %arg2: memref<64x64xf32, #tpu.memory_space<vmem>>, %arg3: memref<12288x128xf32, #tpu.memory_space<vmem>>) attributes {dimension_semantics = [#tpu.dimension_semantics<arbitrary>], iteration_bounds = array<i64: 82>, scalar_prefetch = 0 : i64, scratch_operands = 0 : i64, tpu.core_type = #tpu.core_type<tc>, window_params = [{transform_indices = @transform_0, window_bounds = array<i64: 64, 12288>}, {pipeline_mode = #tpu.pipeline_mode<synchronous>, transform_indices = @transform_1, window_bounds = array<i64: 64, 64>}, {transform_indices = @transform_2, window_bounds = array<i64: 12288, 128>}]} {
    %get3A = arith.constant 0 : index
    %get3A_0 = arith.constant 0 : index
    %get3A_1 = vector.load %arg1[%get3A, %get3A_0] : memref<64x12288xf32, #tpu.memory_space<vmem>>, vector<64x12288xf32>
    %get3A_2 = arith.constant 0 : index
    %get3A_3 = arith.constant 0 : index
    %get3A_4 = vector.load %arg2[%get3A_2, %get3A_3] : memref<64x64xf32, #tpu.memory_space<vmem>>, vector<64x64xf32>
    %convert_element_type3A = arith.truncf %get3A_1 : vector<64x12288xf32> to vector<64x12288xbf16>
    %convert_element_type3A_5 = arith.extf %convert_element_type3A : vector<64x12288xbf16> to vector<64x12288xf32>
    %sub3A = arith.subf %get3A_1, %convert_element_type3A_5 : vector<64x12288xf32>
    %dot_general3A = arith.constant dense<0.000000e+00> : vector<12288x64xf32>
    %dot_general3A_6 = tpu.matmul %convert_element_type3A_5, %get3A_4, %dot_general3A {dimension_numbers = #tpu.dot_dimension_numbers<[0], [0], [1], [1], [0, 1, 1, 1], [], []>, transpose_lhs_hint = false} : vector<64x12288xf32>, vector<64x64xf32>, vector<12288x64xf32> -> vector<12288x64xf32>
    %dot_general3A_7 = arith.constant dense<0.000000e+00> : vector<12288x64xf32>
    %dot_general3A_8 = tpu.matmul %sub3A, %get3A_4, %dot_general3A_7 {dimension_numbers = #tpu.dot_dimension_numbers<[0], [0], [1], [1], [0, 1, 1, 1], [], []>, transpose_lhs_hint = false} : vector<64x12288xf32>, vector<64x64xf32>, vector<12288x64xf32> -> vector<12288x64xf32>
    %add3A = arith.addf %dot_general3A_6, %dot_general3A_8 : vector<12288x64xf32>
    %concatenate3A = tpu.concatenate %add3A, %add3A in 1 : vector<12288x64xf32>, vector<12288x64xf32> -> vector<12288x128xf32>
    %swap3A = arith.constant 0 : index
    %swap3A_9 = arith.constant 0 : index
    %swap3A_10 = vector.load %arg3[%swap3A, %swap3A_9] : memref<12288x128xf32, #tpu.memory_space<vmem>>, vector<12288x128xf32>
    tpu.vector_store %arg3[%swap3A, %swap3A_9], %concatenate3A {strides = array<i32>} : memref<12288x128xf32, #tpu.memory_space<vmem>>, vector<12288x128xf32>,
    return
  }
  func.func @transform_0(%arg0: i32) -> (i32, i32) {
    %c0_i32 = arith.constant 0 : i32
    %c0_i32_0 = arith.constant 0 : i32
    return %c0_i32, %arg0 : i32, i32
  }
  func.func @transform_1(%arg0: i32) -> (i32, i32) {
    %c0_i32 = arith.constant 0 : i32
    %c0_i32_0 = arith.constant 0 : i32
    %c0_i32_1 = arith.constant 0 : i32
    return %c0_i32, %c0_i32_0 : i32, i32
  }
  func.func @transform_2(%arg0: i32) -> (i32, i32) {
    %c0_i32 = arith.constant 0 : i32
    %c0_i32_0 = arith.constant 0 : i32
    return %arg0, %c0_i32 : i32, i32
  }
}

</mosaic_0001>

<sc_bundles>
// kernel: kernel.4.cloned.1.call-start
scs
__scs_entry_jumppad:
0x0: {  	(pc) =	sbr.rel $0x88, $3  }
0x1: {  	(tag) =	ssettag $0x0;
	lr =	simm.s32 $0x1  }
0x2: {  	[smem:$0x3F9E] =	sst lr;
	_ =	strace $0xD0000000  }
0x3: {  	_ = 	snop  }
0x4: {  	_ = 	snop  }
0x5: {  	_ = 	snop  }
0x6: {  	_ = 	snop  }
0x7: {  	_ = 	snop  }
__scs_overlays_trampoline_lowered:
0x8: {  	[smem:$0x3FAD] =	sst s0  }
0x9: {  	[smem:$0x3FAE] =	sst s1  }
0xa: {  	[smem:$0x3FAF] =	sst s2  }
0xb: {  	[smem:$0x3FB0] =	sst s3  }
0xc: {  	[smem:$0x3FB1] =	sst s4  }
0xd: {  	[smem:$0x3FB2] =	sst s5  }
0xe: {  	[smem:$0x3FB3] =	sst s6  }
0xf: {  	[smem:$0x3FB4] =	sst s7  }
0x10: {  	[smem:$0x3FB5] =	sst s8  }
0x11: {  	[smem:$0x3FB6] =	sst s9;
	s0 =	simm.s32 @!p0 $0x0  }
0x12: {  	s1 =	sld [smem:$0x3F9C];
	s0 =	simm.s32 @p0 $0x1  }
0x13: {  	[smem:$0x3FB7] =	sst s0;
	s0 =	simm.s32 @!p1 $0x0  }
0x14: {  	s2 =	sld [smem:$0x3F9B];
	s0 =	simm.s32 @p1 $0x1  }
0x15: {  	[smem:$0x3FB8] =	sst s0;
	s0 =	simm.s32 @!p2 $0x0  }
0x16: {  	s3 =	sld [smem:$0x3FDB];
	s0 =	simm.s32 @p2 $0x1  }
0x17: {  	s4 =	simm.s32 $0x1BF5;
	[smem:$0x3FBA] =	sst s0  }
0x18: {  	s0 =	sld [smem:$0x3F9D];
	_ =	swait.ge [sflag:s4], $0x0  }
0x19: {  	s7 =	sld [smem:$0x3F9E]  }
0x1a: {  	s8 =	sadd.s32 $0xFFFFE003, lr  }
0x1b: {  	s9 =	sadd.s32 $0xFFFFFEF7, lr;
	s5 =	simm.s32 $0xFFFFFFFF;
	p2 =	slt.u32 s8, $0xFFFFF086  }
0x1c: {  	p1 =	slt.u32 s9, $0xF7A;
	s5 =	simm.s32 @!p2 $0x0  }
0x1d: {  	s5 =	simm.s32 @p1 $0x1;
	p0 =	seq.s32 s7, s2  }
0x1e: {  	s7 =	smul.u32 @!p0 $0xF7A, s2;
	p2 =	seq.s32 @!p0 s5, $0x0  }
0x1f: {  	s9 =	smul.u32 $0xF7A, s1;
	s8 =	simm.s32 @!p0 $0x1BF5;
	p2 =	por !p2, p0  }
0x20: {  	[sflag:s8] =	ssyncset.s32 @!p0 $0xFFFFF086;
	s6 =	sadd.s32 @!p0 s3, s7;
	s7 =	simm.s32 @!p0 $0x108  }
0x21: {  	s3 =	sadd.s32 s3, s9;
	s6 =	sadd.s32 @!p0 $0x88, s6;
	s7 =	simm.s32 @p2 $0x1082  }
0x22: {  	[simem:s7], [sflag:s8] =	dma.local @!p0 [hbm:s6], $0xF7A  }
0x23: {  	s9 =	sor.u32 $0xD0000000, s2;
	s6 =	simm.s32 $0x108;
	_ =	swait.ge @!p0 [sflag:s8], $0x0  }
0x24: {  	s3 =	sadd.s32 $0x88, s3;
	s6 =	simm.s32 @!p1 $0x1082;
	[sflag:s4] =	ssyncset.s32 $0xFFFFF086  }
0x25: {  	[simem:s6], [sflag:s4] =	dma.local [hbm:s3], $0xF7A  }
0x26: {  	[smem:$0x3F9E] =	sst s1;
	(tag) =	ssettag s2;
	_ =	strace s9  }
0x27: {  	s1 =	sld [smem:$0x3FAE]  }
0x28: {  	s2 =	sld [smem:$0x3FAF]  }
0x29: {  	s4 =	sld [smem:$0x3FB1]  }
0x2a: {  	p0 =	seq.s32 s5, $0x0;
	s5 =	sld [smem:$0x3FB2]  }
0x2b: {  	s6 =	sld [smem:$0x3FB3]  }
0x2c: {  	s7 =	sld [smem:$0x3FB4]  }
0x2d: {  	s3 =	simm.s32 $0x108;
	s8 =	sld [smem:$0x3FB5]  }
0x2e: {  	s3 =	simm.s32 @!p0 $0x1082;
	s9 =	sld [smem:$0x3FB6]  }
0x2f: {  	lr =	sadd.s32 s0, s3;
	s0 =	sld [smem:$0x3FAD]  }
0x30: {  	s3 =	sld [smem:$0x3FB0]  }
0x31: {  	[smem:$0x3FB9] =	sst s10  }
0x32: {  	s10 =	sld [smem:$0x3FB7];
	_ =	sdelay $0x3  }
0x33: {  	p0 =	seq.s32 s10, $0x1;
	s10 =	sld [smem:$0x3FB9];
	_ =	sdelay $0x3  }
0x34: {  	[smem:$0x3FB9] =	sst s10  }
0x35: {  	s10 =	sld [smem:$0x3FB8];
	_ =	sdelay $0x3  }
0x36: {  	p1 =	seq.s32 s10, $0x1;
	s10 =	sld [smem:$0x3FB9];
	_ =	sdelay $0x3  }
0x37: {  	[smem:$0x3FB9] =	sst s10  }
0x38: {  	s10 =	sld [smem:$0x3FBA]  }
0x39: {  	_ = 	snop;
	(pc) =	sbr.ind lr, $3  }
0x3a: {  	_ = 	snop  }
0x3b: {  	_ = 	snop  }
0x3c: {  	p2 =	seq.s32 s10, $0x1;
	s10 =	sld [smem:$0x3FB9]  }
0x3d: {  	_ =	shalt  }
0x3e: {  	_ =	shalt  }
0x3f: {  	_ =	shalt  }
0x40: {  	_ =	shalt  }
0x41: {  	_ =	shalt  }
0x42: {  	_ =	shalt  }
0x43: {  	_ =	shalt  }
0x44: {  	_ =	shalt  }
0x45: {  	_ =	shalt  }
0x46: {  	_ =	shalt  }
0x47: {  	_ =	shalt  }
0x48: {  	_ =	shalt  }
0x49: {  	_ =	shalt  }
0x4a: {  	_ =	shalt  }
0x4b: {  	_ =	shalt  }
0x4c: {  	_ =	shalt  }
0x4d: {  	_ =	shalt  }
0x4e: {  	_ =	shalt  }
0x4f: {  	_ =	shalt  }
0x50: {  	_ =	shalt  }
0x51: {  	_ =	shalt  }
0x52: {  	_ =	shalt  }
0x53: {  	_ =	shalt  }
0x54: {  	_ =	shalt  }
0x55: {  	_ =	shalt  }
0x56: {  	_ =	shalt  }
0x57: {  	_ =	shalt  }
0x58: {  	_ =	shalt  }
0x59: {  	_ =	shalt  }
0x5a: {  	_ =	shalt  }
0x5b: {  	_ =	shalt  }
0x5c: {  	_ =	shalt  }
0x5d: {  	_ =	shalt  }
0x5e: {  	_ =	shalt  }
0x5f: {  	_ =	shalt  }
0x60: {  	_ =	shalt  }
0x61: {  	_ =	shalt  }
0x62: {  	_ =	shalt  }
0x63: {  	_ =	shalt  }
0x64: {  	_ =	shalt  }
0x65: {  	_ =	shalt  }
0x66: {  	_ =	shalt  }
0x67: {  	_ =	shalt  }
0x68: {  	_ =	shalt  }
0x69: {  	_ =	shalt  }
0x6a: {  	_ =	shalt  }
0x6b: {  	_ =	shalt  }
0x6c: {  	_ =	shalt  }
0x6d: {  	_ =	shalt  }
0x6e: {  	_ =	shalt  }
0x6f: {  	_ =	shalt  }
0x70: {  	_ =	shalt  }
0x71: {  	_ =	shalt  }
0x72: {  	_ =	shalt  }
0x73: {  	_ =	shalt  }
0x74: {  	_ =	shalt  }
0x75: {  	_ =	shalt  }
0x76: {  	_ =	shalt  }
0x77: {  	_ =	shalt  }
0x78: {  	_ =	shalt  }
0x79: {  	_ =	shalt  }
0x7a: {  	_ =	shalt  }
0x7b: {  	_ =	shalt  }
0x7c: {  	_ =	shalt  }
0x7d: {  	_ =	shalt  }
0x7e: {  	_ =	shalt  }
0x7f: {  	_ =	shalt  }
0x80: {  	_ =	shalt  }
0x81: {  	_ =	shalt  }
0x82: {  	_ =	shalt  }
0x83: {  	_ =	shalt  }
0x84: {  	_ =	shalt  }
0x85: {  	_ =	shalt  }
0x86: {  	_ =	shalt  }
0x87: {  	_ =	shalt  }
.Lfunc_end0:
.L_simem_size_0:
called_computation_lowered:
.L_overlay_start_0:
0x88: {  	s2 =	sld [smem:$0x3FD9]  }
0x89: {  	s3 =	sld [smem:$0x3FFE];
	_ =	sdelay $0x1  }
0x8a: {  	s1 =	srdreg.scid  }
0x8b: {  	s0 =	sand.u32 $0x1, s1  }
0x8c: {  	s17 =	sshll.u32 s0, $0xA;
	s2 =	sadd.s32 s3, s2  }
0x8d: {  	s2 =	sadd.s32 s2, s17  }
0x8e: {  	[smem:$0x3FC5] =	sst s2  }
0x8f: {  	_ = 	snop  }
0x90: {  	s2 =	sld [smem:$0x3FD0];
	(tm) =	ssettm $0x1  }
0x91: {  	s18 =	sld [smem:$0x3FFB];
	_ =	sdelay $0x3  }
0x92: {  	_ =	strace s18  }
0x93: {  	s3 =	sld [smem:$0x3FFC];
	_ =	sdelay $0x3  }
0x94: {  	_ =	strace s3  }
0x95: {  	s3 =	sld [smem:$0x3FFD];
	_ =	sdelay $0x3  }
0x96: {  	_ =	strace s3  }
0x97: {  	_ =	strace $0x8FFFFFFF  }
0x98: {  	s19 =	sld [smem:$0x3FDB];
	_ =	sdelay $0x1  }
0x99: {  	s4 =	simm.s32 $_scs_section_size  }
0x9a: {  	s5 =	simm.s32 $_size__tile_overlayer_lowered;
	s6 =	simm.s32 $_tile_overlayer_lowered  }
0x9b: {  	s22 =	simm.s32 $0x1BFF;
	s21 =	sshll.u32 s6, $0x1;
	s3 =	sadd.s32 s4, s19  }
0x9c: {  	s7 =	simm.s32 $0x0;
	s20 =	sshll.u32 s5, $0x1;
	s5 =	sadd.s32 s21, s3  }
0x9d: {  	[timem:s7], [sflag:s22] =	dma.local [hbm:s5], s20  }
0x9e: {  	_ =	swait.ge [sflag:s22], s20  }
0x9f: {  	s4 =	ssub.s32 $0x0, s20;
	[sflag:s22] =	ssyncset.done $0x0  }
0xa0: {  	[sflag:s22] =	ssyncadd.s32 s4;
	_ =	sdelay $0x1  }
0xa1: {  	s23 =	simm.s32 $0x1B8B  }
0xa2: {  	_ =	swait.ge [sflag:s23], $0x1  }
0xa3: {  	[sflag:s23] =	ssyncset.done $0x0  }
0xa4: {  	s25 =	simm.s32 $0x1B8E;
	s24 =	sld [smem:$0x3FFE];
	[sflag:s23] =	ssyncadd.s32 $0xFFFFFFFF  }
0xa5: {  	s26 =	simm.s32 $execute0_lowered;
	[smem:$0x3FD2] =	sst s25  }
0xa6: {  	s5 =	sshll.u32 s26, $0x1;
	_ =	strace $0x80000046;
	[dreg:$0x1] =	wrdreg $0xFFFFFFFF  }
0xa7: {  	s28 =	simm.s32 $_size_execute0_lowered;
	s3 =	sadd.s32 s3, s5;
	[dreg:$0x0] =	wrdreg $0x0  }
0xa8: {  	s5 =	sshll.u32 s28, $0x1;
	[dreg:$0x2] =	wrdreg s3  }
0xa9: {  	[dreg:$0x3] =	wrdreg s5  }
0xaa: {  	[dreg:$0x4] =	wrdreg $0xC0  }
0xab: {  	_ =	task [dreg:s7], $0x5FFFF  }
0xac: {  	[dreg:$0x1] =	wrdreg $0xFFFFFFFF  }
0xad: {  	[dreg:$0x0] =	wrdreg $0x60  }
0xae: {  	[dreg:$0x2] =	wrdreg s24  }
0xaf: {  	[dreg:$0x3] =	wrdreg s2  }
0xb0: {  	[dreg:$0x4] =	wrdreg $0x9  }
0xb1: {  	_ =	task.clear_ibuf [dreg:s7], $0x5FFFF;
	_ =	strace $0x90000046  }
0xb2: {  	s29 =	simm.s32 $0x9;
	_ =	strace $0x80000048  }
0xb3: {  	_ =	swait.ge [sflag:s29], $0x1  }
0xb4: {  	[sflag:s29] =	ssyncadd.s32 $0xFFFFFFFF  }
0xb5: {  	_ =	strace $0x90000048  }
0xb6: {  	_ =	sfence  }
0xb7: {  	s30 =	sld [smem:$0x0];
	_ =	sdelay $0x2  }
0xb8: {  	s31 =	sshll.u32 s1, $0xD;
	s1 =	sshrl.u32 s1, $0x2  }
0xb9: {  	s3 =	sand.u32 $0x4000, s31;
	s1 =	sadd.s32 s1, s30  }
0xba: {  	s0 =	sor.u32 s3, s0;
	s1 =	sshll.u32 s1, $0x11  }
0xbb: {  	s0 =	sor.u32 s1, s0  }
0xbc: {  	s0 =	sadd.s32 $0x8F2B, s0  }
0xbd: {  	[sflag:s0] =	ssyncadd.remote.s32 $0x1  }
0xbe: {  	_ =	sfence.sel $0xFFFF  }
0xbf: {  	[dreg:$0x0] =	wrdreg $0xFFFFFFFF;
	(pc) =	sbr.abs _section_cstart, $3  }
0xc0: {  	[dreg:$0x1] =	wrdreg $0xFFFFFFFF  }
0xc1: {  	_ =	task.clear_ibuf [dreg:s7], $0x2FFFF;
	_ =	strace $0x9FFFFFFF  }
0xc2: {  	(tm) =	ssettm $0x7FFFFFFF  }
0xc3: {  	_ =	shalt  }
tec
execute0_lowered:
.L_overlay_start_1:
0x0: {  	(tag) =	ssettag $0x1  }
0x1: {  	s4 =	rddreg [dreg:$0x0]  }
0x2: {  	s5 =	rddreg [dreg:$0x1]  }
0x3: {  	s0 =	rddreg [dreg:$0x2];
	s3 =	srdreg.scid  }
0x4: {  	s1 =	stileid.u32;
	s2 =	simm.s32 $0x0;
	s10 =	simm.s32 $0x3400  }
0x5: {  	s11 =	simm.s32 $0x7400;
	s12 =	simm.s32 $0x1;
	s13 =	simm.s32 $0xB400  }
0x6: {  	s14 =	simm.s32 $0x2;
	s15 =	simm.s32 $0xF400;
	s16 =	simm.s32 $0x3  }
0x7: {  	s17 =	simm.s32 $0x4;
	s3 =	sand.u32 $0x1, s3;
	s6 =	sshll.u32 s1, $0x1  }
0x8: {  	s18 =	simm.s32 $0x0;
	[smem:$0x7FF] =	sst s2;
	s6 =	sor.u32 s3, s6  }
0x9: {  	_ =	strace $0x80000047;
	s7 =	ssub.s32 $0x2, s3;
	s3 =	sadd.s32 $0x400, s4  }
0xa: {  	s4 =	sadd.s32 $0xF60400, s4;
	s8 =	smul.u32 $0x680, s6;
	s9 =	sshrl.u32 s7, $0x1  }
0xb: {  	s6 =	smul.u32 $0x1A0000, s6;
	s7 =	ssub.s32 s7, s9;
	s9 =	simm.s32 $0x80  }
0xc: {  	s5 =	sadd.s32 s5, s8;
	s7 =	smax.u32 s7, $0x1;
	s8 =	simm.s32 $0x5  }
.LBB2_1:
0xd: {  	[tilespmem:s2], [sflag:$0x5] =	stream.linear.gather [hbm4b:s5+s2], $0x3400, $0x38;
	[tilespmem:$0x13400] =	vst v63  }
0xe: {  	_ =	swait.ge [sflag:s8], $0x3400  }
0xf: {  	[sflag:s8] =	ssyncset.done $0x0  }
0x10: {  	s19 =	simm.s32 $0x0;
	[sflag:s8] =	ssyncadd.s32 $0xFFFFCC00  }
0x11: {  	[tilespmem:s10], [sflag:$0x1] =	stream.indirect.gather [hbm4b:s3+s9], $0x80, s2, s9, $0xb8;
	[tilespmem:$0x13400] =	vst v63  }
.LBB2_2:
0x12: {  	p0 =	seq.s32 s19, $0x0  }
0x13: {  	s21 =	simm.s32 @!p0 $0x4  }
0x14: {  	s20 =	sshllo.u32 s19, $0x1;
	_ =	swait.ge @!p0 [sflag:s21], $0x4000  }
0x15: {  	s22 =	sshll.u32 s20, $0x7;
	[sflag:s21] =	ssyncset.done @!p0 $0x0  }
0x16: {  	s31 =	sand.u32 $0x3FFFFF80, s22;
	[sflag:s21] =	ssyncadd.s32 @!p0 $0xFFFFC000  }
0x17: {  	[tilespmem:s11], [sflag:$0x2] =	stream.indirect.gather [hbm4b:s3+s9], $0x80, s31, s9, $0xb8;
	[tilespmem:$0x13400] =	vst v63  }
0x18: {  	_ =	swait.ge [sflag:s12], $0x4000  }
0x19: {  	[sflag:s12] =	ssyncset.done $0x0  }
0x1a: {  	s21 =	simm.s32 $0x0;
	[sflag:s12] =	ssyncadd.s32 $0xFFFFC000  }
0x1b: {  	v0 =	vld [tilespmem:s21+$0x3BB0]  }
0x1c: {  	v1 =	vld [tilespmem:s21+$0x3400]  }
0x1d: {  	v2 =	vld [tilespmem:s21+$0x3410]  }
0x1e: {  	v3 =	vld [tilespmem:s21+$0x3420]  }
0x1f: {  	v4 =	vld [tilespmem:s21+$0x3430]  }
0x20: {  	v5 =	vld [tilespmem:s21+$0x3480];
	[tilespmem:s21+$0xBBB0] =	vst v0  }
0x21: {  	v6 =	vld [tilespmem:s21+$0x3B00];
	[tilespmem:s21+$0xB400] =	vst v1  }
0x22: {  	v7 =	vld [tilespmem:s21+$0x3B10];
	[tilespmem:s21+$0xB410] =	vst v2  }
0x23: {  	v0 =	vld [tilespmem:s21+$0x3490];
	[tilespmem:s21+$0xB420] =	vst v3  }
0x24: {  	v1 =	vld [tilespmem:s21+$0x34A0];
	[tilespmem:s21+$0xB430] =	vst v4  }
0x25: {  	v2 =	vld [tilespmem:s21+$0x34B0];
	[tilespmem:s21+$0xB480] =	vst v5  }
0x26: {  	v3 =	vld [tilespmem:s21+$0x3500];
	[tilespmem:s21+$0xBB00] =	vst v6  }
0x27: {  	v4 =	vld [tilespmem:s21+$0x3510];
	[tilespmem:s21+$0xBB10] =	vst v7  }
0x28: {  	v5 =	vld [tilespmem:s21+$0x3AB0];
	[tilespmem:s21+$0xB490] =	vst v0  }
0x29: {  	v0 =	vld [tilespmem:s21+$0x3520];
	[tilespmem:s21+$0xB4A0] =	vst v1  }
0x2a: {  	v1 =	vld [tilespmem:s21+$0x3530];
	[tilespmem:s21+$0xB4B0] =	vst v2  }
0x2b: {  	v2 =	vld [tilespmem:s21+$0x3580];
	[tilespmem:s21+$0xB500] =	vst v3  }
0x2c: {  	v3 =	vld [tilespmem:s21+$0x3590];
	[tilespmem:s21+$0xB510] =	vst v4  }
0x2d: {  	v4 =	vld [tilespmem:s21+$0x35A0];
	[tilespmem:s21+$0xBAB0] =	vst v5  }
0x2e: {  	[tilespmem:s21+$0xB520] =	vst v0;
	v0 =	vld [tilespmem:s21+$0x35B0]  }
0x2f: {  	[tilespmem:s21+$0xB530] =	vst v1;
	v1 =	vld [tilespmem:s21+$0x3600]  }
0x30: {  	[tilespmem:s21+$0xB580] =	vst v2;
	v2 =	vld [tilespmem:s21+$0x3610]  }
0x31: {  	[tilespmem:s21+$0xB590] =	vst v3;
	v3 =	vld [tilespmem:s21+$0x3620]  }
0x32: {  	[tilespmem:s21+$0xB5A0] =	vst v4;
	v4 =	vld [tilespmem:s21+$0x3630]  }
0x33: {  	[tilespmem:s21+$0xB5B0] =	vst v0;
	v0 =	vld [tilespmem:s21+$0x3680]  }
0x34: {  	[tilespmem:s21+$0xB600] =	vst v1;
	v1 =	vld [tilespmem:s21+$0x3690]  }
0x35: {  	[tilespmem:s21+$0xB610] =	vst v2;
	v2 =	vld [tilespmem:s21+$0x36A0]  }
0x36: {  	[tilespmem:s21+$0xB620] =	vst v3;
	v3 =	vld [tilespmem:s21+$0x36B0]  }
0x37: {  	[tilespmem:s21+$0xB630] =	vst v4;
	v4 =	vld [tilespmem:s21+$0x3700]  }
0x38: {  	[tilespmem:s21+$0xB680] =	vst v0;
	v0 =	vld [tilespmem:s21+$0x3710]  }
0x39: {  	[tilespmem:s21+$0xB690] =	vst v1;
	v1 =	vld [tilespmem:s21+$0x3720]  }
0x3a: {  	[tilespmem:s21+$0xB6A0] =	vst v2;
	v2 =	vld [tilespmem:s21+$0x3730]  }
0x3b: {  	[tilespmem:s21+$0xB6B0] =	vst v3;
	v3 =	vld [tilespmem:s21+$0x3780]  }
0x3c: {  	[tilespmem:s21+$0xB700] =	vst v4;
	v4 =	vld [tilespmem:s21+$0x3790]  }
0x3d: {  	[tilespmem:s21+$0xB710] =	vst v0;
	v0 =	vld [tilespmem:s21+$0x37A0]  }
0x3e: {  	[tilespmem:s21+$0xB720] =	vst v1;
	v1 =	vld [tilespmem:s21+$0x37B0]  }
0x3f: {  	[tilespmem:s21+$0xB730] =	vst v2;
	v2 =	vld [tilespmem:s21+$0x3800]  }
0x40: {  	[tilespmem:s21+$0xB780] =	vst v3;
	v3 =	vld [tilespmem:s21+$0x3810]  }
0x41: {  	[tilespmem:s21+$0xB790] =	vst v4;
	v4 =	vld [tilespmem:s21+$0x3820]  }
0x42: {  	[tilespmem:s21+$0xB7A0] =	vst v0;
	v0 =	vld [tilespmem:s21+$0x3830]  }
0x43: {  	[tilespmem:s21+$0xB7B0] =	vst v1;
	v1 =	vld [tilespmem:s21+$0x3880]  }
0x44: {  	[tilespmem:s21+$0xB800] =	vst v2;
	v2 =	vld [tilespmem:s21+$0x3890]  }
0x45: {  	[tilespmem:s21+$0xB810] =	vst v3;
	v3 =	vld [tilespmem:s21+$0x38A0]  }
0x46: {  	[tilespmem:s21+$0xB820] =	vst v4;
	v4 =	vld [tilespmem:s21+$0x38B0]  }
0x47: {  	[tilespmem:s21+$0xB830] =	vst v0;
	v0 =	vld [tilespmem:s21+$0x3900]  }
0x48: {  	[tilespmem:s21+$0xB880] =	vst v1;
	v1 =	vld [tilespmem:s21+$0x3910]  }
0x49: {  	[tilespmem:s21+$0xB890] =	vst v2;
	v2 =	vld [tilespmem:s21+$0x3920]  }
0x4a: {  	[tilespmem:s21+$0xB8A0] =	vst v3;
	v3 =	vld [tilespmem:s21+$0x3930]  }
0x4b: {  	[tilespmem:s21+$0xB8B0] =	vst v4;
	v4 =	vld [tilespmem:s21+$0x3980]  }
0x4c: {  	[tilespmem:s21+$0xB900] =	vst v0;
	v0 =	vld [tilespmem:s21+$0x3990]  }
0x4d: {  	[tilespmem:s21+$0xB910] =	vst v1;
	v1 =	vld [tilespmem:s21+$0x39A0]  }
0x4e: {  	[tilespmem:s21+$0xB920] =	vst v2;
	v2 =	vld [tilespmem:s21+$0x39B0]  }
0x4f: {  	[tilespmem:s21+$0xB930] =	vst v3;
	v3 =	vld [tilespmem:s21+$0x3A00]  }
0x50: {  	[tilespmem:s21+$0xB980] =	vst v4;
	v4 =	vld [tilespmem:s21+$0x3A10]  }
0x51: {  	[tilespmem:s21+$0xB990] =	vst v0;
	v0 =	vld [tilespmem:s21+$0x3A20]  }
0x52: {  	[tilespmem:s21+$0xB9A0] =	vst v1;
	v1 =	vld [tilespmem:s21+$0x3A30]  }
0x53: {  	[tilespmem:s21+$0xB9B0] =	vst v2;
	v2 =	vld [tilespmem:s21+$0x3A80]  }
0x54: {  	[tilespmem:s21+$0xBA00] =	vst v3;
	v3 =	vld [tilespmem:s21+$0x3A90]  }
0x55: {  	[tilespmem:s21+$0xBA10] =	vst v4;
	v4 =	vld [tilespmem:s21+$0x3AA0]  }
0x56: {  	[tilespmem:s21+$0xBA20] =	vst v0;
	v0 =	vld [tilespmem:s21+$0x3B20]  }
0x57: {  	[tilespmem:s21+$0xBA30] =	vst v1;
	v1 =	vld [tilespmem:s21+$0x3B30]  }
0x58: {  	[tilespmem:s21+$0xBA80] =	vst v2;
	v2 =	vld [tilespmem:s21+$0x3B80]  }
0x59: {  	[tilespmem:s21+$0xBA90] =	vst v3;
	v3 =	vld [tilespmem:s21+$0x3B90]  }
0x5a: {  	s23 =	simm.s32 $0x800;
	s22 =	simm.s32 $0x4000;
	[tilespmem:s21+$0xBAA0] =	vst v4;
	v4 =	vld [tilespmem:s21+$0x3BA0]  }
.LBB2_3:
0x5b: {  	p0 =	sne.s32 s22, $0xE000;
	v5 =	vld [tilespmem:s23+$0x3BB0];
	[tilespmem:s21+$0xBB20] =	vst v0  }
0x5c: {  	v0 =	vld [tilespmem:s23+$0x3400];
	[tilespmem:s21+$0xBB30] =	vst v1  }
0x5d: {  	v1 =	vld [tilespmem:s23+$0x3410];
	[tilespmem:s21+$0xBB80] =	vst v2  }
0x5e: {  	v2 =	vld [tilespmem:s23+$0x3420];
	[tilespmem:s21+$0xBB90] =	vst v3  }
0x5f: {  	v3 =	vld [tilespmem:s23+$0x3430];
	[tilespmem:s21+$0xBBA0] =	vst v4;
	s21 =	smov.u32 s23  }
0x60: {  	v4 =	vld [tilespmem:s21+$0x3480];
	[tilespmem:s21+$0xBBB0] =	vst v5  }
0x61: {  	[tilespmem:s21+$0xB400] =	vst v0;
	v0 =	vld [tilespmem:s21+$0x3490]  }
0x62: {  	[tilespmem:s21+$0xB410] =	vst v1;
	v1 =	vld [tilespmem:s21+$0x34A0]  }
0x63: {  	[tilespmem:s21+$0xB420] =	vst v2;
	v2 =	vld [tilespmem:s21+$0x34B0]  }
0x64: {  	[tilespmem:s21+$0xB430] =	vst v3;
	v3 =	vld [tilespmem:s21+$0x3500]  }
0x65: {  	[tilespmem:s21+$0xB480] =	vst v4;
	v4 =	vld [tilespmem:s21+$0x3510]  }
0x66: {  	[tilespmem:s21+$0xB490] =	vst v0;
	v0 =	vld [tilespmem:s21+$0x3520]  }
0x67: {  	[tilespmem:s21+$0xB4A0] =	vst v1;
	v1 =	vld [tilespmem:s21+$0x3530]  }
0x68: {  	[tilespmem:s21+$0xB4B0] =	vst v2;
	v2 =	vld [tilespmem:s21+$0x3580]  }
0x69: {  	[tilespmem:s21+$0xB500] =	vst v3;
	v3 =	vld [tilespmem:s21+$0x3590]  }
0x6a: {  	[tilespmem:s21+$0xB510] =	vst v4;
	v4 =	vld [tilespmem:s21+$0x35A0]  }
0x6b: {  	[tilespmem:s21+$0xB520] =	vst v0;
	v0 =	vld [tilespmem:s21+$0x35B0]  }
0x6c: {  	[tilespmem:s21+$0xB530] =	vst v1;
	v1 =	vld [tilespmem:s21+$0x3600]  }
0x6d: {  	[tilespmem:s21+$0xB580] =	vst v2;
	v2 =	vld [tilespmem:s21+$0x3610]  }
0x6e: {  	[tilespmem:s21+$0xB590] =	vst v3;
	v3 =	vld [tilespmem:s21+$0x3620]  }
0x6f: {  	[tilespmem:s21+$0xB5A0] =	vst v4;
	v4 =	vld [tilespmem:s21+$0x3630]  }
0x70: {  	[tilespmem:s21+$0xB5B0] =	vst v0;
	v0 =	vld [tilespmem:s21+$0x3680]  }
0x71: {  	[tilespmem:s21+$0xB600] =	vst v1;
	v1 =	vld [tilespmem:s21+$0x3690]  }
0x72: {  	[tilespmem:s21+$0xB610] =	vst v2;
	v2 =	vld [tilespmem:s21+$0x36A0]  }
0x73: {  	[tilespmem:s21+$0xB620] =	vst v3;
	v3 =	vld [tilespmem:s21+$0x36B0]  }
0x74: {  	[tilespmem:s21+$0xB630] =	vst v4;
	v4 =	vld [tilespmem:s21+$0x3700]  }
0x75: {  	[tilespmem:s21+$0xB680] =	vst v0;
	v0 =	vld [tilespmem:s21+$0x3710]  }
0x76: {  	[tilespmem:s21+$0xB690] =	vst v1;
	v1 =	vld [tilespmem:s21+$0x3720]  }
0x77: {  	[tilespmem:s21+$0xB6A0] =	vst v2;
	v2 =	vld [tilespmem:s21+$0x3730]  }
0x78: {  	[tilespmem:s21+$0xB6B0] =	vst v3;
	v3 =	vld [tilespmem:s21+$0x3780]  }
0x79: {  	[tilespmem:s21+$0xB700] =	vst v4;
	v4 =	vld [tilespmem:s21+$0x3790]  }
0x7a: {  	[tilespmem:s21+$0xB710] =	vst v0;
	v0 =	vld [tilespmem:s21+$0x37A0]  }
0x7b: {  	[tilespmem:s21+$0xB720] =	vst v1;
	v1 =	vld [tilespmem:s21+$0x37B0]  }
0x7c: {  	[tilespmem:s21+$0xB730] =	vst v2;
	v2 =	vld [tilespmem:s21+$0x3800]  }
0x7d: {  	[tilespmem:s21+$0xB780] =	vst v3;
	v3 =	vld [tilespmem:s21+$0x3810]  }
0x7e: {  	[tilespmem:s21+$0xB790] =	vst v4;
	v4 =	vld [tilespmem:s21+$0x3820]  }
0x7f: {  	[tilespmem:s21+$0xB7A0] =	vst v0;
	v0 =	vld [tilespmem:s21+$0x3830]  }
0x80: {  	[tilespmem:s21+$0xB7B0] =	vst v1;
	v1 =	vld [tilespmem:s21+$0x3880]  }
0x81: {  	[tilespmem:s21+$0xB800] =	vst v2;
	v2 =	vld [tilespmem:s21+$0x3890]  }
0x82: {  	[tilespmem:s21+$0xB810] =	vst v3;
	v3 =	vld [tilespmem:s21+$0x38A0]  }
0x83: {  	[tilespmem:s21+$0xB820] =	vst v4;
	v4 =	vld [tilespmem:s21+$0x38B0]  }
0x84: {  	[tilespmem:s21+$0xB830] =	vst v0;
	v0 =	vld [tilespmem:s21+$0x3900]  }
0x85: {  	[tilespmem:s21+$0xB880] =	vst v1;
	v1 =	vld [tilespmem:s21+$0x3910]  }
0x86: {  	[tilespmem:s21+$0xB890] =	vst v2;
	v2 =	vld [tilespmem:s21+$0x3920]  }
0x87: {  	[tilespmem:s21+$0xB8A0] =	vst v3;
	v3 =	vld [tilespmem:s21+$0x3930]  }
0x88: {  	[tilespmem:s21+$0xB8B0] =	vst v4;
	v4 =	vld [tilespmem:s21+$0x3980]  }
0x89: {  	[tilespmem:s21+$0xB900] =	vst v0;
	v0 =	vld [tilespmem:s21+$0x3990]  }
0x8a: {  	[tilespmem:s21+$0xB910] =	vst v1;
	v1 =	vld [tilespmem:s21+$0x39A0]  }
0x8b: {  	[tilespmem:s21+$0xB920] =	vst v2;
	v2 =	vld [tilespmem:s21+$0x39B0]  }
0x8c: {  	[tilespmem:s21+$0xB930] =	vst v3;
	v3 =	vld [tilespmem:s21+$0x3A00]  }
0x8d: {  	[tilespmem:s21+$0xB980] =	vst v4;
	v4 =	vld [tilespmem:s21+$0x3A10]  }
0x8e: {  	[tilespmem:s21+$0xB990] =	vst v0;
	v0 =	vld [tilespmem:s21+$0x3A20]  }
0x8f: {  	[tilespmem:s21+$0xB9A0] =	vst v1;
	v1 =	vld [tilespmem:s21+$0x3A30]  }
0x90: {  	[tilespmem:s21+$0xB9B0] =	vst v2;
	v2 =	vld [tilespmem:s21+$0x3A80]  }
0x91: {  	[tilespmem:s21+$0xBA00] =	vst v3;
	v3 =	vld [tilespmem:s21+$0x3A90]  }
0x92: {  	[tilespmem:s21+$0xBA10] =	vst v4;
	v4 =	vld [tilespmem:s21+$0x3AA0]  }
0x93: {  	[tilespmem:s21+$0xBA20] =	vst v0;
	v5 =	vld [tilespmem:s21+$0x3AB0]  }
0x94: {  	[tilespmem:s21+$0xBA30] =	vst v1;
	v6 =	vld [tilespmem:s21+$0x3B00]  }
0x95: {  	[tilespmem:s21+$0xBA80] =	vst v2;
	v7 =	vld [tilespmem:s21+$0x3B10]  }
.Ltmp0:
0x96: {  	[tilespmem:s21+$0xBA90] =	vst v3;
	v0 =	vld [tilespmem:s21+$0x3B20];
	(pc) =	sbr.rel @p0 .LBB2_3-.Ltmp0, $4  }
0x97: {  	[tilespmem:s21+$0xBAA0] =	vst v4;
	v1 =	vld [tilespmem:s21+$0x3B30]  }
0x98: {  	[tilespmem:s21+$0xBAB0] =	vst v5;
	v2 =	vld [tilespmem:s21+$0x3B80]  }
0x99: {  	[tilespmem:s21+$0xBB00] =	vst v6;
	v3 =	vld [tilespmem:s21+$0x3B90]  }
0x9a: {  	s23 =	sshra.s32 s22, $0x2;
	s22 =	sadd.s32 $0x2000, s22;
	[tilespmem:s21+$0xBB10] =	vst v7;
	v4 =	vld [tilespmem:s21+$0x3BA0]  }
0x9b: {  	v5 =	vld [tilespmem:s23+$0x3BB0];
	[tilespmem:s21+$0xBB20] =	vst v0  }
0x9c: {  	v0 =	vld [tilespmem:s23+$0x3400];
	[tilespmem:s21+$0xBB30] =	vst v1  }
0x9d: {  	v1 =	vld [tilespmem:s23+$0x3410];
	[tilespmem:s21+$0xBB80] =	vst v2  }
0x9e: {  	v2 =	vld [tilespmem:s23+$0x3420];
	[tilespmem:s21+$0xBB90] =	vst v3  }
0x9f: {  	v3 =	vld [tilespmem:s23+$0x3430];
	[tilespmem:s21+$0xBBA0] =	vst v4  }
0xa0: {  	v4 =	vld [tilespmem:s23+$0x3480];
	[tilespmem:s23+$0xBBB0] =	vst v5  }
0xa1: {  	[tilespmem:s23+$0xB400] =	vst v0;
	v0 =	vld [tilespmem:s23+$0x3490]  }
0xa2: {  	[tilespmem:s23+$0xB410] =	vst v1;
	v1 =	vld [tilespmem:s23+$0x34A0]  }
0xa3: {  	[tilespmem:s23+$0xB420] =	vst v2;
	v2 =	vld [tilespmem:s23+$0x34B0]  }
0xa4: {  	[tilespmem:s23+$0xB430] =	vst v3;
	v3 =	vld [tilespmem:s23+$0x3500]  }
0xa5: {  	[tilespmem:s23+$0xB480] =	vst v4;
	v4 =	vld [tilespmem:s23+$0x3510]  }
0xa6: {  	[tilespmem:s23+$0xB490] =	vst v0;
	v0 =	vld [tilespmem:s23+$0x3520]  }
0xa7: {  	[tilespmem:s23+$0xB4A0] =	vst v1;
	v1 =	vld [tilespmem:s23+$0x3530]  }
0xa8: {  	[tilespmem:s23+$0xB4B0] =	vst v2;
	v2 =	vld [tilespmem:s23+$0x3580]  }
0xa9: {  	[tilespmem:s23+$0xB500] =	vst v3;
	v3 =	vld [tilespmem:s23+$0x3590]  }
0xaa: {  	[tilespmem:s23+$0xB510] =	vst v4;
	v4 =	vld [tilespmem:s23+$0x35A0]  }
0xab: {  	[tilespmem:s23+$0xB520] =	vst v0;
	v0 =	vld [tilespmem:s23+$0x35B0]  }
0xac: {  	[tilespmem:s23+$0xB530] =	vst v1;
	v1 =	vld [tilespmem:s23+$0x3600]  }
0xad: {  	[tilespmem:s23+$0xB580] =	vst v2;
	v2 =	vld [tilespmem:s23+$0x3610]  }
0xae: {  	[tilespmem:s23+$0xB590] =	vst v3;
	v3 =	vld [tilespmem:s23+$0x3620]  }
0xaf: {  	[tilespmem:s23+$0xB5A0] =	vst v4;
	v4 =	vld [tilespmem:s23+$0x3630]  }
0xb0: {  	[tilespmem:s23+$0xB5B0] =	vst v0;
	v0 =	vld [tilespmem:s23+$0x3680]  }
0xb1: {  	[tilespmem:s23+$0xB600] =	vst v1;
	v1 =	vld [tilespmem:s23+$0x3690]  }
0xb2: {  	[tilespmem:s23+$0xB610] =	vst v2;
	v2 =	vld [tilespmem:s23+$0x36A0]  }
0xb3: {  	[tilespmem:s23+$0xB620] =	vst v3;
	v3 =	vld [tilespmem:s23+$0x36B0]  }
0xb4: {  	[tilespmem:s23+$0xB630] =	vst v4;
	v4 =	vld [tilespmem:s23+$0x3700]  }
0xb5: {  	[tilespmem:s23+$0xB680] =	vst v0;
	v0 =	vld [tilespmem:s23+$0x3710]  }
0xb6: {  	[tilespmem:s23+$0xB690] =	vst v1;
	v1 =	vld [tilespmem:s23+$0x3720]  }
0xb7: {  	[tilespmem:s23+$0xB6A0] =	vst v2;
	v2 =	vld [tilespmem:s23+$0x3730]  }
0xb8: {  	[tilespmem:s23+$0xB6B0] =	vst v3;
	v3 =	vld [tilespmem:s23+$0x3780]  }
0xb9: {  	[tilespmem:s23+$0xB700] =	vst v4;
	v4 =	vld [tilespmem:s23+$0x3790]  }
0xba: {  	[tilespmem:s23+$0xB710] =	vst v0;
	v0 =	vld [tilespmem:s23+$0x37A0]  }
0xbb: {  	[tilespmem:s23+$0xB720] =	vst v1;
	v1 =	vld [tilespmem:s23+$0x37B0]  }
0xbc: {  	[tilespmem:s23+$0xB730] =	vst v2;
	v2 =	vld [tilespmem:s23+$0x3800]  }
0xbd: {  	[tilespmem:s23+$0xB780] =	vst v3;
	v3 =	vld [tilespmem:s23+$0x3810]  }
0xbe: {  	[tilespmem:s23+$0xB790] =	vst v4;
	v4 =	vld [tilespmem:s23+$0x3820]  }
0xbf: {  	[tilespmem:s23+$0xB7A0] =	vst v0;
	v0 =	vld [tilespmem:s23+$0x3830]  }
0xc0: {  	[tilespmem:s23+$0xB7B0] =	vst v1;
	v1 =	vld [tilespmem:s23+$0x3880]  }
0xc1: {  	[tilespmem:s23+$0xB800] =	vst v2;
	v2 =	vld [tilespmem:s23+$0x3890]  }
0xc2: {  	[tilespmem:s23+$0xB810] =	vst v3;
	v3 =	vld [tilespmem:s23+$0x38A0]  }
0xc3: {  	[tilespmem:s23+$0xB820] =	vst v4;
	v4 =	vld [tilespmem:s23+$0x38B0]  }
0xc4: {  	[tilespmem:s23+$0xB830] =	vst v0;
	v0 =	vld [tilespmem:s23+$0x3900]  }
0xc5: {  	[tilespmem:s23+$0xB880] =	vst v1;
	v1 =	vld [tilespmem:s23+$0x3910]  }
0xc6: {  	[tilespmem:s23+$0xB890] =	vst v2;
	v2 =	vld [tilespmem:s23+$0x3920]  }
0xc7: {  	[tilespmem:s23+$0xB8A0] =	vst v3;
	v3 =	vld [tilespmem:s23+$0x3930]  }
0xc8: {  	[tilespmem:s23+$0xB8B0] =	vst v4;
	v4 =	vld [tilespmem:s23+$0x3980]  }
0xc9: {  	[tilespmem:s23+$0xB900] =	vst v0;
	v0 =	vld [tilespmem:s23+$0x3990]  }
0xca: {  	[tilespmem:s23+$0xB910] =	vst v1;
	v1 =	vld [tilespmem:s23+$0x39A0]  }
0xcb: {  	[tilespmem:s23+$0xB920] =	vst v2;
	v2 =	vld [tilespmem:s23+$0x39B0]  }
0xcc: {  	[tilespmem:s23+$0xB930] =	vst v3;
	v3 =	vld [tilespmem:s23+$0x3A00]  }
0xcd: {  	[tilespmem:s23+$0xB980] =	vst v4;
	v4 =	vld [tilespmem:s23+$0x3A10]  }
0xce: {  	[tilespmem:s23+$0xB990] =	vst v0;
	v0 =	vld [tilespmem:s23+$0x3A20]  }
0xcf: {  	[tilespmem:s23+$0xB9A0] =	vst v1;
	v1 =	vld [tilespmem:s23+$0x3A30]  }
0xd0: {  	[tilespmem:s23+$0xB9B0] =	vst v2;
	v2 =	vld [tilespmem:s23+$0x3A80]  }
0xd1: {  	[tilespmem:s23+$0xBA00] =	vst v3;
	v3 =	vld [tilespmem:s23+$0x3A90]  }
0xd2: {  	[tilespmem:s23+$0xBA10] =	vst v4;
	v4 =	vld [tilespmem:s23+$0x3AA0]  }
0xd3: {  	[tilespmem:s23+$0xBA20] =	vst v0;
	v0 =	vld [tilespmem:s23+$0x3AB0]  }
0xd4: {  	[tilespmem:s23+$0xBA30] =	vst v1;
	v1 =	vld [tilespmem:s23+$0x3B00]  }
0xd5: {  	[tilespmem:s23+$0xBA80] =	vst v2;
	v2 =	vld [tilespmem:s23+$0x3B10]  }
0xd6: {  	[tilespmem:s23+$0xBA90] =	vst v3;
	v3 =	vld [tilespmem:s23+$0x3B20]  }
0xd7: {  	[tilespmem:s23+$0xBAA0] =	vst v4;
	v4 =	vld [tilespmem:s23+$0x3B30]  }
0xd8: {  	[tilespmem:s23+$0xBAB0] =	vst v0;
	v0 =	vld [tilespmem:s23+$0x3B80]  }
0xd9: {  	[tilespmem:s23+$0xBB00] =	vst v1;
	v1 =	vld [tilespmem:s23+$0x3B90]  }
0xda: {  	[tilespmem:s23+$0xBB10] =	vst v2;
	v2 =	vld [tilespmem:s23+$0x3BA0]  }
0xdb: {  	[tilespmem:s23+$0xBB20] =	vst v3  }
0xdc: {  	s31 =	sshll.u32 s19, $0xF;
	[tilespmem:s23+$0xBB30] =	vst v4  }
0xdd: {  	s21 =	sadd.s32 s6, s31;
	[tilespmem:s23+$0xBB80] =	vst v0  }
0xde: {  	s21 =	sshrl.u32 s21, $0x3;
	[tilespmem:s23+$0xBB90] =	vst v1  }
0xdf: {  	p0 =	seq.s32 s19, $0x33;
	s21 =	sadd.s32 s4, s21;
	[tilespmem:s23+$0xBBA0] =	vst v2  }
0xe0: {  	[hbm4b:s21+s2] =	stream.linear.scatter [tilespmem:s13], [sflag:$0x3], $0x4000, $0x38;
	[tilespmem:$0x13400] =	vst v63  }
0xe1: {  	s21 =	simm.s32 @!p0 $0x3  }
0xe2: {  	_ =	swait.ge @!p0 [sflag:s21], $0x4000  }
0xe3: {  	s22 =	sshll.u32 @!p0 s19, $0x8;
	[sflag:s21] =	ssyncset.done @!p0 $0x0  }
0xe4: {  	[sflag:s21] =	ssyncadd.s32 @!p0 $0xFFFFC000;
	s21 =	sand.u32 @!p0 $0x3FFFFF00, s22  }
0xe5: {  	s23 =	simm.s32 @!p0 $0x3400;
	s22 =	simm.s32 @!p0 $0x80;
	s21 =	sadd.s32 @!p0 $0x100, s21  }
0xe6: {  	[tilespmem:s23], [sflag:$0x1] =	stream.indirect.gather @!p0 [hbm4b:s3+s22], $0x80, s21, s22, $0xb8;
	[tilespmem:$0x13400] =	vst v63  }
0xe7: {  	_ =	swait.ge [sflag:s14], $0x4000  }
0xe8: {  	[sflag:s14] =	ssyncset.done $0x0  }
0xe9: {  	s21 =	simm.s32 $0x0;
	[sflag:s14] =	ssyncadd.s32 $0xFFFFC000  }
0xea: {  	v0 =	vld [tilespmem:s21+$0x7BB0]  }
0xeb: {  	v1 =	vld [tilespmem:s21+$0x7400]  }
0xec: {  	v2 =	vld [tilespmem:s21+$0x7410]  }
0xed: {  	v3 =	vld [tilespmem:s21+$0x7420]  }
0xee: {  	v4 =	vld [tilespmem:s21+$0x7430]  }
0xef: {  	v5 =	vld [tilespmem:s21+$0x7480];
	[tilespmem:s21+$0xFBB0] =	vst v0  }
0xf0: {  	v6 =	vld [tilespmem:s21+$0x7B00];
	[tilespmem:s21+$0xF400] =	vst v1  }
0xf1: {  	v7 =	vld [tilespmem:s21+$0x7B10];
	[tilespmem:s21+$0xF410] =	vst v2  }
0xf2: {  	v0 =	vld [tilespmem:s21+$0x7490];
	[tilespmem:s21+$0xF420] =	vst v3  }
0xf3: {  	v1 =	vld [tilespmem:s21+$0x74A0];
	[tilespmem:s21+$0xF430] =	vst v4  }
0xf4: {  	v2 =	vld [tilespmem:s21+$0x74B0];
	[tilespmem:s21+$0xF480] =	vst v5  }
0xf5: {  	v3 =	vld [tilespmem:s21+$0x7500];
	[tilespmem:s21+$0xFB00] =	vst v6  }
0xf6: {  	v4 =	vld [tilespmem:s21+$0x7510];
	[tilespmem:s21+$0xFB10] =	vst v7  }
0xf7: {  	v5 =	vld [tilespmem:s21+$0x7AB0];
	[tilespmem:s21+$0xF490] =	vst v0  }
0xf8: {  	v0 =	vld [tilespmem:s21+$0x7520];
	[tilespmem:s21+$0xF4A0] =	vst v1  }
0xf9: {  	v1 =	vld [tilespmem:s21+$0x7530];
	[tilespmem:s21+$0xF4B0] =	vst v2  }
0xfa: {  	v2 =	vld [tilespmem:s21+$0x7580];
	[tilespmem:s21+$0xF500] =	vst v3  }
0xfb: {  	v3 =	vld [tilespmem:s21+$0x7590];
	[tilespmem:s21+$0xF510] =	vst v4  }
0xfc: {  	v4 =	vld [tilespmem:s21+$0x75A0];
	[tilespmem:s21+$0xFAB0] =	vst v5  }
0xfd: {  	[tilespmem:s21+$0xF520] =	vst v0;
	v0 =	vld [tilespmem:s21+$0x75B0]  }
0xfe: {  	[tilespmem:s21+$0xF530] =	vst v1;
	v1 =	vld [tilespmem:s21+$0x7600]  }
0xff: {  	[tilespmem:s21+$0xF580] =	vst v2;
	v2 =	vld [tilespmem:s21+$0x7610]  }
0x100: {  	[tilespmem:s21+$0xF590] =	vst v3;
	v3 =	vld [tilespmem:s21+$0x7620]  }
0x101: {  	[tilespmem:s21+$0xF5A0] =	vst v4;
	v4 =	vld [tilespmem:s21+$0x7630]  }
0x102: {  	[tilespmem:s21+$0xF5B0] =	vst v0;
	v0 =	vld [tilespmem:s21+$0x7680]  }
0x103: {  	[tilespmem:s21+$0xF600] =	vst v1;
	v1 =	vld [tilespmem:s21+$0x7690]  }
0x104: {  	[tilespmem:s21+$0xF610] =	vst v2;
	v2 =	vld [tilespmem:s21+$0x76A0]  }
0x105: {  	[tilespmem:s21+$0xF620] =	vst v3;
	v3 =	vld [tilespmem:s21+$0x76B0]  }
0x106: {  	[tilespmem:s21+$0xF630] =	vst v4;
	v4 =	vld [tilespmem:s21+$0x7700]  }
0x107: {  	[tilespmem:s21+$0xF680] =	vst v0;
	v0 =	vld [tilespmem:s21+$0x7710]  }
0x108: {  	[tilespmem:s21+$0xF690] =	vst v1;
	v1 =	vld [tilespmem:s21+$0x7720]  }
0x109: {  	[tilespmem:s21+$0xF6A0] =	vst v2;
	v2 =	vld [tilespmem:s21+$0x7730]  }
0x10a: {  	[tilespmem:s21+$0xF6B0] =	vst v3;
	v3 =	vld [tilespmem:s21+$0x7780]  }
0x10b: {  	[tilespmem:s21+$0xF700] =	vst v4;
	v4 =	vld [tilespmem:s21+$0x7790]  }
0x10c: {  	[tilespmem:s21+$0xF710] =	vst v0;
	v0 =	vld [tilespmem:s21+$0x77A0]  }
0x10d: {  	[tilespmem:s21+$0xF720] =	vst v1;
	v1 =	vld [tilespmem:s21+$0x77B0]  }
0x10e: {  	[tilespmem:s21+$0xF730] =	vst v2;
	v2 =	vld [tilespmem:s21+$0x7800]  }
0x10f: {  	[tilespmem:s21+$0xF780] =	vst v3;
	v3 =	vld [tilespmem:s21+$0x7810]  }
0x110: {  	[tilespmem:s21+$0xF790] =	vst v4;
	v4 =	vld [tilespmem:s21+$0x7820]  }
0x111: {  	[tilespmem:s21+$0xF7A0] =	vst v0;
	v0 =	vld [tilespmem:s21+$0x7830]  }
0x112: {  	[tilespmem:s21+$0xF7B0] =	vst v1;
	v1 =	vld [tilespmem:s21+$0x7880]  }
0x113: {  	[tilespmem:s21+$0xF800] =	vst v2;
	v2 =	vld [tilespmem:s21+$0x7890]  }
0x114: {  	[tilespmem:s21+$0xF810] =	vst v3;
	v3 =	vld [tilespmem:s21+$0x78A0]  }
0x115: {  	[tilespmem:s21+$0xF820] =	vst v4;
	v4 =	vld [tilespmem:s21+$0x78B0]  }
0x116: {  	[tilespmem:s21+$0xF830] =	vst v0;
	v0 =	vld [tilespmem:s21+$0x7900]  }
0x117: {  	[tilespmem:s21+$0xF880] =	vst v1;
	v1 =	vld [tilespmem:s21+$0x7910]  }
0x118: {  	[tilespmem:s21+$0xF890] =	vst v2;
	v2 =	vld [tilespmem:s21+$0x7920]  }
0x119: {  	[tilespmem:s21+$0xF8A0] =	vst v3;
	v3 =	vld [tilespmem:s21+$0x7930]  }
0x11a: {  	[tilespmem:s21+$0xF8B0] =	vst v4;
	v4 =	vld [tilespmem:s21+$0x7980]  }
0x11b: {  	[tilespmem:s21+$0xF900] =	vst v0;
	v0 =	vld [tilespmem:s21+$0x7990]  }
0x11c: {  	[tilespmem:s21+$0xF910] =	vst v1;
	v1 =	vld [tilespmem:s21+$0x79A0]  }
0x11d: {  	[tilespmem:s21+$0xF920] =	vst v2;
	v2 =	vld [tilespmem:s21+$0x79B0]  }
0x11e: {  	[tilespmem:s21+$0xF930] =	vst v3;
	v3 =	vld [tilespmem:s21+$0x7A00]  }
0x11f: {  	[tilespmem:s21+$0xF980] =	vst v4;
	v4 =	vld [tilespmem:s21+$0x7A10]  }
0x120: {  	[tilespmem:s21+$0xF990] =	vst v0;
	v0 =	vld [tilespmem:s21+$0x7A20]  }
0x121: {  	[tilespmem:s21+$0xF9A0] =	vst v1;
	v1 =	vld [tilespmem:s21+$0x7A30]  }
0x122: {  	[tilespmem:s21+$0xF9B0] =	vst v2;
	v2 =	vld [tilespmem:s21+$0x7A80]  }
0x123: {  	[tilespmem:s21+$0xFA00] =	vst v3;
	v3 =	vld [tilespmem:s21+$0x7A90]  }
0x124: {  	[tilespmem:s21+$0xFA10] =	vst v4;
	v4 =	vld [tilespmem:s21+$0x7AA0]  }
0x125: {  	[tilespmem:s21+$0xFA20] =	vst v0;
	v0 =	vld [tilespmem:s21+$0x7B20]  }
0x126: {  	[tilespmem:s21+$0xFA30] =	vst v1;
	v1 =	vld [tilespmem:s21+$0x7B30]  }
0x127: {  	[tilespmem:s21+$0xFA80] =	vst v2;
	v2 =	vld [tilespmem:s21+$0x7B80]  }
0x128: {  	[tilespmem:s21+$0xFA90] =	vst v3;
	v3 =	vld [tilespmem:s21+$0x7B90]  }
0x129: {  	s23 =	simm.s32 $0x800;
	s22 =	simm.s32 $0x4000;
	[tilespmem:s21+$0xFAA0] =	vst v4;
	v4 =	vld [tilespmem:s21+$0x7BA0]  }
.LBB2_5:
0x12a: {  	p0 =	sne.s32 s22, $0xE000;
	v5 =	vld [tilespmem:s23+$0x7BB0];
	[tilespmem:s21+$0xFB20] =	vst v0  }
0x12b: {  	v0 =	vld [tilespmem:s23+$0x7400];
	[tilespmem:s21+$0xFB30] =	vst v1  }
0x12c: {  	v1 =	vld [tilespmem:s23+$0x7410];
	[tilespmem:s21+$0xFB80] =	vst v2  }
0x12d: {  	v2 =	vld [tilespmem:s23+$0x7420];
	[tilespmem:s21+$0xFB90] =	vst v3  }
0x12e: {  	v3 =	vld [tilespmem:s23+$0x7430];
	[tilespmem:s21+$0xFBA0] =	vst v4;
	s21 =	smov.u32 s23  }
0x12f: {  	v4 =	vld [tilespmem:s21+$0x7480];
	[tilespmem:s21+$0xFBB0] =	vst v5  }
0x130: {  	[tilespmem:s21+$0xF400] =	vst v0;
	v0 =	vld [tilespmem:s21+$0x7490]  }
0x131: {  	[tilespmem:s21+$0xF410] =	vst v1;
	v1 =	vld [tilespmem:s21+$0x74A0]  }
0x132: {  	[tilespmem:s21+$0xF420] =	vst v2;
	v2 =	vld [tilespmem:s21+$0x74B0]  }
0x133: {  	[tilespmem:s21+$0xF430] =	vst v3;
	v3 =	vld [tilespmem:s21+$0x7500]  }
0x134: {  	[tilespmem:s21+$0xF480] =	vst v4;
	v4 =	vld [tilespmem:s21+$0x7510]  }
0x135: {  	[tilespmem:s21+$0xF490] =	vst v0;
	v0 =	vld [tilespmem:s21+$0x7520]  }
0x136: {  	[tilespmem:s21+$0xF4A0] =	vst v1;
	v1 =	vld [tilespmem:s21+$0x7530]  }
0x137: {  	[tilespmem:s21+$0xF4B0] =	vst v2;
	v2 =	vld [tilespmem:s21+$0x7580]  }
0x138: {  	[tilespmem:s21+$0xF500] =	vst v3;
	v3 =	vld [tilespmem:s21+$0x7590]  }
0x139: {  	[tilespmem:s21+$0xF510] =	vst v4;
	v4 =	vld [tilespmem:s21+$0x75A0]  }
0x13a: {  	[tilespmem:s21+$0xF520] =	vst v0;
	v0 =	vld [tilespmem:s21+$0x75B0]  }
0x13b: {  	[tilespmem:s21+$0xF530] =	vst v1;
	v1 =	vld [tilespmem:s21+$0x7600]  }
0x13c: {  	[tilespmem:s21+$0xF580] =	vst v2;
	v2 =	vld [tilespmem:s21+$0x7610]  }
0x13d: {  	[tilespmem:s21+$0xF590] =	vst v3;
	v3 =	vld [tilespmem:s21+$0x7620]  }
0x13e: {  	[tilespmem:s21+$0xF5A0] =	vst v4;
	v4 =	vld [tilespmem:s21+$0x7630]  }
0x13f: {  	[tilespmem:s21+$0xF5B0] =	vst v0;
	v0 =	vld [tilespmem:s21+$0x7680]  }
0x140: {  	[tilespmem:s21+$0xF600] =	vst v1;
	v1 =	vld [tilespmem:s21+$0x7690]  }
0x141: {  	[tilespmem:s21+$0xF610] =	vst v2;
	v2 =	vld [tilespmem:s21+$0x76A0]  }
0x142: {  	[tilespmem:s21+$0xF620] =	vst v3;
	v3 =	vld [tilespmem:s21+$0x76B0]  }
0x143: {  	[tilespmem:s21+$0xF630] =	vst v4;
	v4 =	vld [tilespmem:s21+$0x7700]  }
0x144: {  	[tilespmem:s21+$0xF680] =	vst v0;
	v0 =	vld [tilespmem:s21+$0x7710]  }
0x145: {  	[tilespmem:s21+$0xF690] =	vst v1;
	v1 =	vld [tilespmem:s21+$0x7720]  }
0x146: {  	[tilespmem:s21+$0xF6A0] =	vst v2;
	v2 =	vld [tilespmem:s21+$0x7730]  }
0x147: {  	[tilespmem:s21+$0xF6B0] =	vst v3;
	v3 =	vld [tilespmem:s21+$0x7780]  }
0x148: {  	[tilespmem:s21+$0xF700] =	vst v4;
	v4 =	vld [tilespmem:s21+$0x7790]  }
0x149: {  	[tilespmem:s21+$0xF710] =	vst v0;
	v0 =	vld [tilespmem:s21+$0x77A0]  }
0x14a: {  	[tilespmem:s21+$0xF720] =	vst v1;
	v1 =	vld [tilespmem:s21+$0x77B0]  }
0x14b: {  	[tilespmem:s21+$0xF730] =	vst v2;
	v2 =	vld [tilespmem:s21+$0x7800]  }
0x14c: {  	[tilespmem:s21+$0xF780] =	vst v3;
	v3 =	vld [tilespmem:s21+$0x7810]  }
0x14d: {  	[tilespmem:s21+$0xF790] =	vst v4;
	v4 =	vld [tilespmem:s21+$0x7820]  }
0x14e: {  	[tilespmem:s21+$0xF7A0] =	vst v0;
	v0 =	vld [tilespmem:s21+$0x7830]  }
0x14f: {  	[tilespmem:s21+$0xF7B0] =	vst v1;
	v1 =	vld [tilespmem:s21+$0x7880]  }
0x150: {  	[tilespmem:s21+$0xF800] =	vst v2;
	v2 =	vld [tilespmem:s21+$0x7890]  }
0x151: {  	[tilespmem:s21+$0xF810] =	vst v3;
	v3 =	vld [tilespmem:s21+$0x78A0]  }
0x152: {  	[tilespmem:s21+$0xF820] =	vst v4;
	v4 =	vld [tilespmem:s21+$0x78B0]  }
0x153: {  	[tilespmem:s21+$0xF830] =	vst v0;
	v0 =	vld [tilespmem:s21+$0x7900]  }
0x154: {  	[tilespmem:s21+$0xF880] =	vst v1;
	v1 =	vld [tilespmem:s21+$0x7910]  }
0x155: {  	[tilespmem:s21+$0xF890] =	vst v2;
	v2 =	vld [tilespmem:s21+$0x7920]  }
0x156: {  	[tilespmem:s21+$0xF8A0] =	vst v3;
	v3 =	vld [tilespmem:s21+$0x7930]  }
0x157: {  	[tilespmem:s21+$0xF8B0] =	vst v4;
	v4 =	vld [tilespmem:s21+$0x7980]  }
0x158: {  	[tilespmem:s21+$0xF900] =	vst v0;
	v0 =	vld [tilespmem:s21+$0x7990]  }
0x159: {  	[tilespmem:s21+$0xF910] =	vst v1;
	v1 =	vld [tilespmem:s21+$0x79A0]  }
0x15a: {  	[tilespmem:s21+$0xF920] =	vst v2;
	v2 =	vld [tilespmem:s21+$0x79B0]  }
0x15b: {  	[tilespmem:s21+$0xF930] =	vst v3;
	v3 =	vld [tilespmem:s21+$0x7A00]  }
0x15c: {  	[tilespmem:s21+$0xF980] =	vst v4;
	v4 =	vld [tilespmem:s21+$0x7A10]  }
0x15d: {  	[tilespmem:s21+$0xF990] =	vst v0;
	v0 =	vld [tilespmem:s21+$0x7A20]  }
0x15e: {  	[tilespmem:s21+$0xF9A0] =	vst v1;
	v1 =	vld [tilespmem:s21+$0x7A30]  }
0x15f: {  	[tilespmem:s21+$0xF9B0] =	vst v2;
	v2 =	vld [tilespmem:s21+$0x7A80]  }
0x160: {  	[tilespmem:s21+$0xFA00] =	vst v3;
	v3 =	vld [tilespmem:s21+$0x7A90]  }
0x161: {  	[tilespmem:s21+$0xFA10] =	vst v4;
	v4 =	vld [tilespmem:s21+$0x7AA0]  }
0x162: {  	[tilespmem:s21+$0xFA20] =	vst v0;
	v5 =	vld [tilespmem:s21+$0x7AB0]  }
0x163: {  	[tilespmem:s21+$0xFA30] =	vst v1;
	v6 =	vld [tilespmem:s21+$0x7B00]  }
0x164: {  	[tilespmem:s21+$0xFA80] =	vst v2;
	v7 =	vld [tilespmem:s21+$0x7B10]  }
.Ltmp1:
0x165: {  	[tilespmem:s21+$0xFA90] =	vst v3;
	v0 =	vld [tilespmem:s21+$0x7B20];
	(pc) =	sbr.rel @p0 .LBB2_5-.Ltmp1, $4  }
0x166: {  	[tilespmem:s21+$0xFAA0] =	vst v4;
	v1 =	vld [tilespmem:s21+$0x7B30]  }
0x167: {  	[tilespmem:s21+$0xFAB0] =	vst v5;
	v2 =	vld [tilespmem:s21+$0x7B80]  }
0x168: {  	[tilespmem:s21+$0xFB00] =	vst v6;
	v3 =	vld [tilespmem:s21+$0x7B90]  }
0x169: {  	s23 =	sshra.s32 s22, $0x2;
	s22 =	sadd.s32 $0x2000, s22;
	[tilespmem:s21+$0xFB10] =	vst v7;
	v4 =	vld [tilespmem:s21+$0x7BA0]  }
0x16a: {  	v5 =	vld [tilespmem:s23+$0x7BB0];
	[tilespmem:s21+$0xFB20] =	vst v0  }
0x16b: {  	v0 =	vld [tilespmem:s23+$0x7400];
	[tilespmem:s21+$0xFB30] =	vst v1  }
0x16c: {  	v1 =	vld [tilespmem:s23+$0x7410];
	[tilespmem:s21+$0xFB80] =	vst v2  }
0x16d: {  	v2 =	vld [tilespmem:s23+$0x7420];
	[tilespmem:s21+$0xFB90] =	vst v3  }
0x16e: {  	v3 =	vld [tilespmem:s23+$0x7430];
	[tilespmem:s21+$0xFBA0] =	vst v4  }
0x16f: {  	v4 =	vld [tilespmem:s23+$0x7480];
	[tilespmem:s23+$0xFBB0] =	vst v5  }
0x170: {  	v62 =	vld [tilespmem:s23+$0x7490];
	[tilespmem:s23+$0xF400] =	vst v0  }
0x171: {  	v63 =	vld [tilespmem:s23+$0x74A0];
	[tilespmem:s23+$0xF410] =	vst v1  }
0x172: {  	v8 =	vld [tilespmem:s23+$0x74B0];
	[tilespmem:s23+$0xF420] =	vst v2  }
0x173: {  	v9 =	vld [tilespmem:s23+$0x7500];
	[tilespmem:s23+$0xF430] =	vst v3  }
0x174: {  	v10 =	vld [tilespmem:s23+$0x7510];
	[tilespmem:s23+$0xF480] =	vst v4  }
0x175: {  	v11 =	vld [tilespmem:s23+$0x7520];
	[tilespmem:s23+$0xF490] =	vst v62  }
0x176: {  	v12 =	vld [tilespmem:s23+$0x7530];
	[tilespmem:s23+$0xF4A0] =	vst v63  }
0x177: {  	v13 =	vld [tilespmem:s23+$0x7580];
	[tilespmem:s23+$0xF4B0] =	vst v8  }
0x178: {  	v14 =	vld [tilespmem:s23+$0x7590];
	[tilespmem:s23+$0xF500] =	vst v9  }
0x179: {  	v15 =	vld [tilespmem:s23+$0x75A0];
	[tilespmem:s23+$0xF510] =	vst v10  }
0x17a: {  	v16 =	vld [tilespmem:s23+$0x75B0];
	[tilespmem:s23+$0xF520] =	vst v11  }
0x17b: {  	v17 =	vld [tilespmem:s23+$0x7600];
	[tilespmem:s23+$0xF530] =	vst v12  }
0x17c: {  	v18 =	vld [tilespmem:s23+$0x7610];
	[tilespmem:s23+$0xF580] =	vst v13  }
0x17d: {  	v19 =	vld [tilespmem:s23+$0x7620];
	[tilespmem:s23+$0xF590] =	vst v14  }
0x17e: {  	v20 =	vld [tilespmem:s23+$0x7630];
	[tilespmem:s23+$0xF5A0] =	vst v15  }
0x17f: {  	v21 =	vld [tilespmem:s23+$0x7680];
	[tilespmem:s23+$0xF5B0] =	vst v16  }
0x180: {  	v22 =	vld [tilespmem:s23+$0x7690];
	[tilespmem:s23+$0xF600] =	vst v17  }
0x181: {  	v23 =	vld [tilespmem:s23+$0x76A0];
	[tilespmem:s23+$0xF610] =	vst v18  }
0x182: {  	v24 =	vld [tilespmem:s23+$0x76B0];
	[tilespmem:s23+$0xF620] =	vst v19  }
0x183: {  	v25 =	vld [tilespmem:s23+$0x7700];
	[tilespmem:s23+$0xF630] =	vst v20  }
0x184: {  	v26 =	vld [tilespmem:s23+$0x7710];
	[tilespmem:s23+$0xF680] =	vst v21  }
0x185: {  	v27 =	vld [tilespmem:s23+$0x7720];
	[tilespmem:s23+$0xF690] =	vst v22  }
0x186: {  	v28 =	vld [tilespmem:s23+$0x7730];
	[tilespmem:s23+$0xF6A0] =	vst v23  }
0x187: {  	v29 =	vld [tilespmem:s23+$0x7780];
	[tilespmem:s23+$0xF6B0] =	vst v24  }
0x188: {  	v30 =	vld [tilespmem:s23+$0x7790];
	[tilespmem:s23+$0xF700] =	vst v25  }
0x189: {  	v31 =	vld [tilespmem:s23+$0x77A0];
	[tilespmem:s23+$0xF710] =	vst v26  }
0x18a: {  	v32 =	vld [tilespmem:s23+$0x77B0];
	[tilespmem:s23+$0xF720] =	vst v27  }
0x18b: {  	v33 =	vld [tilespmem:s23+$0x7800];
	[tilespmem:s23+$0xF730] =	vst v28  }
0x18c: {  	v34 =	vld [tilespmem:s23+$0x7810];
	[tilespmem:s23+$0xF780] =	vst v29  }
0x18d: {  	v35 =	vld [tilespmem:s23+$0x7820];
	[tilespmem:s23+$0xF790] =	vst v30  }
0x18e: {  	v36 =	vld [tilespmem:s23+$0x7830];
	[tilespmem:s23+$0xF7A0] =	vst v31  }
0x18f: {  	v37 =	vld [tilespmem:s23+$0x7880];
	[tilespmem:s23+$0xF7B0] =	vst v32  }
0x190: {  	v38 =	vld [tilespmem:s23+$0x7890];
	[tilespmem:s23+$0xF800] =	vst v33  }
0x191: {  	v39 =	vld [tilespmem:s23+$0x78A0];
	[tilespmem:s23+$0xF810] =	vst v34  }
0x192: {  	v40 =	vld [tilespmem:s23+$0x78B0];
	[tilespmem:s23+$0xF820] =	vst v35  }
0x193: {  	v41 =	vld [tilespmem:s23+$0x7900];
	[tilespmem:s23+$0xF830] =	vst v36  }
0x194: {  	v42 =	vld [tilespmem:s23+$0x7910];
	[tilespmem:s23+$0xF880] =	vst v37  }
0x195: {  	v43 =	vld [tilespmem:s23+$0x7920];
	[tilespmem:s23+$0xF890] =	vst v38  }
0x196: {  	v44 =	vld [tilespmem:s23+$0x7930];
	[tilespmem:s23+$0xF8A0] =	vst v39  }
0x197: {  	v45 =	vld [tilespmem:s23+$0x7980];
	[tilespmem:s23+$0xF8B0] =	vst v40  }
0x198: {  	v46 =	vld [tilespmem:s23+$0x7990];
	[tilespmem:s23+$0xF900] =	vst v41  }
0x199: {  	v47 =	vld [tilespmem:s23+$0x79A0];
	[tilespmem:s23+$0xF910] =	vst v42  }
0x19a: {  	v48 =	vld [tilespmem:s23+$0x79B0];
	[tilespmem:s23+$0xF920] =	vst v43  }
0x19b: {  	v49 =	vld [tilespmem:s23+$0x7A00];
	[tilespmem:s23+$0xF930] =	vst v44  }
0x19c: {  	v50 =	vld [tilespmem:s23+$0x7A10];
	[tilespmem:s23+$0xF980] =	vst v45  }
0x19d: {  	v51 =	vld [tilespmem:s23+$0x7A20];
	[tilespmem:s23+$0xF990] =	vst v46  }
0x19e: {  	v52 =	vld [tilespmem:s23+$0x7A30];
	[tilespmem:s23+$0xF9A0] =	vst v47  }
0x19f: {  	v53 =	vld [tilespmem:s23+$0x7A80];
	[tilespmem:s23+$0xF9B0] =	vst v48  }
0x1a0: {  	v54 =	vld [tilespmem:s23+$0x7A90];
	[tilespmem:s23+$0xFA00] =	vst v49  }
0x1a1: {  	v55 =	vld [tilespmem:s23+$0x7AA0];
	[tilespmem:s23+$0xFA10] =	vst v50  }
0x1a2: {  	v56 =	vld [tilespmem:s23+$0x7AB0];
	[tilespmem:s23+$0xFA20] =	vst v51  }
0x1a3: {  	v57 =	vld [tilespmem:s23+$0x7B00];
	[tilespmem:s23+$0xFA30] =	vst v52  }
0x1a4: {  	v58 =	vld [tilespmem:s23+$0x7B10];
	[tilespmem:s23+$0xFA80] =	vst v53  }
0x1a5: {  	v59 =	vld [tilespmem:s23+$0x7B20];
	[tilespmem:s23+$0xFA90] =	vst v54  }
0x1a6: {  	v60 =	vld [tilespmem:s23+$0x7B30];
	[tilespmem:s23+$0xFAA0] =	vst v55  }
0x1a7: {  	v61 =	vld [tilespmem:s23+$0x7B80];
	[tilespmem:s23+$0xFAB0] =	vst v56  }
0x1a8: {  	[tilespmem:s23+$0xFB00] =	vst v57;
	v62 =	vld [tilespmem:s23+$0x7B90]  }
0x1a9: {  	s19 =	sadd.s32 $0x1, s19;
	[tilespmem:s23+$0xFB10] =	vst v58;
	v63 =	vld [tilespmem:s23+$0x7BA0]  }
0x1aa: {  	p0 =	sne.s32 s19, $0x34;
	[tilespmem:s23+$0xFB20] =	vst v59  }
.Ltmp2:
0x1ab: {  	s20 =	sshll.u32 s20, $0xE;
	[tilespmem:s23+$0xFB30] =	vst v60;
	(pc) =	sbr.rel @p0 .LBB2_2-.Ltmp2, $4  }
0x1ac: {  	s20 =	sadd.s32 s6, s20;
	[tilespmem:s23+$0xFB80] =	vst v61  }
0x1ad: {  	s20 =	sshrl.u32 s20, $0x3;
	[tilespmem:s23+$0xFB90] =	vst v62  }
0x1ae: {  	s20 =	sadd.s32 s4, s20;
	[tilespmem:s23+$0xFBA0] =	vst v63  }
0x1af: {  	[hbm4b:s20+s2] =	stream.linear.scatter [tilespmem:s15], [sflag:$0x4], $0x4000, $0x38;
	[tilespmem:$0x13400] =	vst v63  }
0x1b0: {  	s18 =	sadd.s32 $0x1, s18  }
0x1b1: {  	_ =	swait.ge [sflag:s16], $0x4000;
	p0 =	sne.s32 s18, s7  }
.Ltmp3:
0x1b2: {  	[sflag:s16] =	ssyncset.done $0x0;
	(pc) =	sbr.rel @p0 .LBB2_1-.Ltmp3, $4  }
0x1b3: {  	[sflag:s16] =	ssyncadd.s32 $0xFFFFC000  }
0x1b4: {  	_ =	swait.ge [sflag:s17], $0x4000  }
0x1b5: {  	[sflag:s17] =	ssyncset.done $0x0  }
0x1b6: {  	[sflag:s17] =	ssyncadd.s32 $0xFFFFC000  }
0x1b7: {  	_ =	sfence.sel $0x180000  }
0x1b8: {  	[bflag:$0x0] =	sbarrier.arrive $0xFFFF  }
0x1b9: {  	p0 =	sne.s32 s1, $0x0;
	_ =	strace $0x90000047  }
0x1ba: {  	s0 =	sadd.s32 @!p0 $0x100000, s0;
	[bflag:$0x2] =	sbarrier.arrive $0xFFFF  }
0x1bb: {  	[sflag:s0] =	ssyncadd.tile.s32 @!p0 $0x1;
	_ =	shalt  }
.Lfunc_end2:
_tile_overlayer_lowered:
.L_overlay_start_2:
0x1bc: {  	(tag) =	ssettag $0x2  }
0x1bd: {  	s0 =	rddreg [dreg:$0x0];
	s2 =	stileid.u32  }
0x1be: {  	s1 =	rddreg [dreg:$0x1];
	p0 =	sne.s32 s2, $0x0  }
0x1bf: {  	s3 =	rddreg [dreg:$0x2];
	[bflag:$0x3] =	sbarrier.arrive $0xFFFF;
	s2 =	simm.s32 @!p0 $0x1C05  }
0x1c0: {  	[timem:s3], [sflag:s2] =	dma.local @!p0 [hbm:s0], s1  }
0x1c1: {  	s0 =	simm.s32 @!p0 $0x5  }
0x1c2: {  	_ =	swait.ge @!p0 [sflag:s0], s1  }
0x1c3: {  	s1 =	ssub.s32 @!p0 $0x0, s1;
	[sflag:s0] =	ssyncset.done @!p0 $0x0  }
0x1c4: {  	[sflag:s0] =	ssyncadd.s32 @!p0 s1  }
0x1c5: {  	[bflag:$0x3] =	sbarrier.arrive $0xFFFF  }
0x1c6: {  	_ =	shalt  }

</sc_bundles>
